<compile_context>
chip_gen: v7x
topology: tpu7x:2x2x1
jax: 0.10.2.dev20260603
libtpu: 0.0.44.dev20260713+nightly
codegen_flags: <defaults>
</compile_context>

<pallas_src>
import functools

import jax
import jax.numpy as jnp
from jax import lax
from jax.experimental import pallas as pl
from jax.experimental.pallas import tpu as pltpu
from jax.experimental.pallas import tpu_sc as plsc

N, C, H, W = 4, 96, 224, 224
HW = H * W
NPLANES = N * C
NWORKERS = 32
PPW = NPLANES // NWORKERS
NPAIRS = PPW // 2
K = 1792
NCHUNKS = HW // K
STEPS = K // 16
ITERS = NCHUNKS // 2


def _precompute_tc(gx, gy):
    ROWS = HW // 128

    def body(gx_ref, gy_ref, i_ref, wx_ref, wy_ref):
        gxv = gx_ref[...]
        gyv = gy_ref[...]
        ix = (gxv + 1.0) * (0.5 * (W - 1))
        iy = (gyv + 1.0) * (0.5 * (H - 1))
        ix = jnp.clip(ix, 0.0, float(W - 1))
        iy = jnp.clip(iy, 0.0, float(H - 1))
        ix0 = jnp.minimum(jnp.floor(ix), float(W - 2))
        iy0 = jnp.minimum(jnp.floor(iy), float(H - 2))
        wx_ref[...] = ix - ix0
        wy_ref[...] = iy - iy0
        i_ref[...] = iy0.astype(jnp.int32) * W + ix0.astype(jnp.int32)

    out_shape = (
        jax.ShapeDtypeStruct((N, ROWS, 128), jnp.int32),
        jax.ShapeDtypeStruct((N, ROWS, 128), jnp.float32),
        jax.ShapeDtypeStruct((N, ROWS, 128), jnp.float32),
    )
    i00, wx, wy = pl.pallas_call(body, out_shape=out_shape)(
        gx.reshape(N, ROWS, 128), gy.reshape(N, ROWS, 128)
    )
    return i00.reshape(N * HW), wx.reshape(N * HW), wy.reshape(N * HW)


def _sc_sample(inp_flat, i00, wx, wy):
    mesh = plsc.VectorSubcoreMesh(core_axis_name="c", subcore_axis_name="s")

    @functools.partial(
        pl.kernel,
        out_type=jax.ShapeDtypeStruct((NPLANES * HW,), jnp.float32),
        mesh=mesh,
        scratch_types=[
            pltpu.VMEM((HW,), jnp.float32),
            pltpu.VMEM((HW,), jnp.float32),
            pltpu.VMEM((2, K), jnp.int32),
            pltpu.VMEM((2, K), jnp.float32),
            pltpu.VMEM((2, K), jnp.float32),
            pltpu.VMEM((2, K), jnp.float32),
            pltpu.VMEM((2, K), jnp.float32),
            pltpu.SemaphoreType.DMA,
            pltpu.SemaphoreType.DMA,
            pltpu.SemaphoreType.DMA,
            pltpu.SemaphoreType.DMA,
            pltpu.SemaphoreType.DMA,
        ],
        compiler_params=pltpu.CompilerParams(needs_layout_passes=False),
    )
    def body(inp_hbm, idx_hbm, wx_hbm, wy_hbm, out_hbm,
             pl0_v, pl1_v, idx_v, wx_v, wy_v, out0_v, out1_v,
             sem_plane, sem_c0, sem_c1, sem_o0, sem_o1):
        wid = lax.axis_index("c") * 16 + lax.axis_index("s")
        n = wid // (NWORKERS // N)
        gbase = n * HW
        sem_c = (sem_c0, sem_c1)
        sem_o = (sem_o0, sem_o1)
        out_bufs = (out0_v, out1_v)

        def start_chunk(ch, s):
            off = gbase + ch * K
            pltpu.async_copy(idx_hbm.at[pl.ds(off, K)], idx_v.at[s], sem_c[s])
            pltpu.async_copy(wx_hbm.at[pl.ds(off, K)], wx_v.at[s], sem_c[s])
            pltpu.async_copy(wy_hbm.at[pl.ds(off, K)], wy_v.at[s], sem_c[s])

        def wait_chunk(ch, s):
            off = gbase + ch * K
            pltpu.make_async_copy(idx_hbm.at[pl.ds(off, K)], idx_v.at[s], sem_c[s]).wait()
            pltpu.make_async_copy(wx_hbm.at[pl.ds(off, K)], wx_v.at[s], sem_c[s]).wait()
            pltpu.make_async_copy(wy_hbm.at[pl.ds(off, K)], wy_v.at[s], sem_c[s]).wait()

        def start_out(p0_id, p1_id, ch, s):
            pltpu.async_copy(out0_v.at[s], out_hbm.at[pl.ds(p0_id * HW + ch * K, K)], sem_o[s])
            pltpu.async_copy(out1_v.at[s], out_hbm.at[pl.ds(p1_id * HW + ch * K, K)], sem_o[s])

        def wait_out(p0_id, p1_id, ch, s):
            pltpu.make_async_copy(out0_v.at[s], out_hbm.at[pl.ds(p0_id * HW + ch * K, K)], sem_o[s]).wait()
            pltpu.make_async_copy(out1_v.at[s], out_hbm.at[pl.ds(p1_id * HW + ch * K, K)], sem_o[s]).wait()

        def compute_chunk(s):
            @plsc.parallel_loop(0, STEPS, 1, unroll=4)
            def _(i):
                sl = i * 16
                idx = idx_v[s, pl.ds(sl, 16)]
                fx1 = wx_v[s, pl.ds(sl, 16)]
                fy1 = wy_v[s, pl.ds(sl, 16)]
                fx0 = 1.0 - fx1
                fy0 = 1.0 - fy1
                i01 = idx + 1
                i10 = idx + W
                i11 = idx + (W + 1)
                for pv, ov in ((pl0_v, out0_v), (pl1_v, out1_v)):
                    v00 = plsc.load_gather(pv, [idx])
                    v01 = plsc.load_gather(pv, [i01])
                    v10 = plsc.load_gather(pv, [i10])
                    v11 = plsc.load_gather(pv, [i11])
                    top = v00 * fx0 + v01 * fx1
                    bot = v10 * fx0 + v11 * fx1
                    ov[s, pl.ds(sl, 16)] = top * fy0 + bot * fy1

        def pair_body(p, carry):
            p0_id = wid * PPW + 2 * p
            p1_id = p0_id + 1
            pltpu.async_copy(inp_hbm.at[pl.ds(p0_id * HW, HW)], pl0_v, sem_plane)
            pltpu.async_copy(inp_hbm.at[pl.ds(p1_id * HW, HW)], pl1_v, sem_plane)
            start_chunk(0, 0)

            @pl.when(p > 0)
            def _():
                q0 = p0_id - 2
                q1 = q0 + 1
                wait_out(q0, q1, NCHUNKS - 2, 0)
                wait_out(q0, q1, NCHUNKS - 1, 1)

            pltpu.make_async_copy(inp_hbm.at[pl.ds(p0_id * HW, HW)], pl0_v, sem_plane).wait()
            pltpu.make_async_copy(inp_hbm.at[pl.ds(p1_id * HW, HW)], pl1_v, sem_plane).wait()

            def chunk_iter(it, carry2):
                ch0 = 2 * it
                ch1 = ch0 + 1
                start_chunk(ch1, 1)
                wait_chunk(ch0, 0)

                @pl.when(it > 0)
                def _():
                    wait_out(p0_id, p1_id, ch0 - 2, 0)

                compute_chunk(0)
                start_out(p0_id, p1_id, ch0, 0)
                @pl.when(ch1 + 1 < NCHUNKS)
                def _():
                    start_chunk(ch1 + 1, 0)

                wait_chunk(ch1, 1)

                @pl.when(it > 0)
                def _():
                    wait_out(p0_id, p1_id, ch1 - 2, 1)

                compute_chunk(1)
                start_out(p0_id, p1_id, ch1, 1)
                return carry2

            lax.fori_loop(0, ITERS, chunk_iter, 0)
            return carry

        lax.fori_loop(0, NPAIRS, pair_body, 0)
        q0 = wid * PPW + PPW - 2
        q1 = q0 + 1
        wait_out(q0, q1, NCHUNKS - 2, 0)
        wait_out(q0, q1, NCHUNKS - 1, 1)

    return body(inp_flat, i00, wx, wy)


def kernel(input, grid):
    gx = grid[..., 0].reshape(N, HW)
    gy = grid[..., 1].reshape(N, HW)
    i00, wx, wy = _precompute_tc(gx, gy)
    out = _sc_sample(input.reshape(NPLANES * HW), i00, wx, wy)
    return out.reshape(N, C, H, W)

# --- scband reference (transcript-rebuilt; emitter-appended) ---
"""Pipeline reference for scband-my-model-61933428410450 (READ-ONLY COPY).

The authoritative reference and input builder live on the scoring server;
editing this copy changes nothing except your own understanding.
"""

import jax, jax.numpy as jnp
import numpy as np


def grid_sample_bilinear_border(inp, grid):
    # inp: [N, C, H, W]; grid: [N, Ho, Wo, 2] with (x, y) in [-1, 1]
    # mode='bilinear', padding_mode='border', align_corners=True
    N, C, H, W = inp.shape
    gx = grid[..., 0]
    gy = grid[..., 1]
    # align_corners=True unnormalization
    ix = (gx + 1.0) * 0.5 * (W - 1)
    iy = (gy + 1.0) * 0.5 * (H - 1)
    # border padding: clamp source coords before computing corners/weights
    ix = jnp.clip(ix, 0.0, W - 1)
    iy = jnp.clip(iy, 0.0, H - 1)
    ix0 = jnp.floor(ix)
    iy0 = jnp.floor(iy)
    ix1 = ix0 + 1.0
    iy1 = iy0 + 1.0
    wx1 = ix - ix0
    wx0 = 1.0 - wx1
    wy1 = iy - iy0
    wy0 = 1.0 - wy1
    ix0i = jnp.clip(ix0, 0, W - 1).astype(jnp.int32)
    ix1i = jnp.clip(ix1, 0, W - 1).astype(jnp.int32)
    iy0i = jnp.clip(iy0, 0, H - 1).astype(jnp.int32)
    iy1i = jnp.clip(iy1, 0, H - 1).astype(jnp.int32)
    b = jnp.arange(N)[:, None, None]
    # advanced indexing gathers -> [N, Ho, Wo, C]
    v00 = inp[b, :, iy0i, ix0i]
    v01 = inp[b, :, iy0i, ix1i]
    v10 = inp[b, :, iy1i, ix0i]
    v11 = inp[b, :, iy1i, ix1i]
    w00 = (wy0 * wx0)[..., None]
    w01 = (wy0 * wx1)[..., None]
    w10 = (wy1 * wx0)[..., None]
    w11 = (wy1 * wx1)[..., None]
    out = v00 * w00 + v01 * w01 + v10 * w10 + v11 * w11
    return jnp.transpose(out, (0, 3, 1, 2))


def setup_inputs(seed: int = 0) -> dict:
    key = jax.random.key(seed)
    k1, k2 = jax.random.split(key)
    inp = jax.random.normal(k1, (4, 96, 224, 224), dtype=jnp.float32)
    grid = jax.random.uniform(k2, (4, 224, 224, 2), dtype=jnp.float32) * 2.0 - 1.0
    return {"input": inp, "grid": grid}


def reference(input, grid):
    return grid_sample_bilinear_border(input, grid)

if __name__ == "__main__":
    import jax
    _d = setup_inputs()
    print(jax.jit(kernel)(*tuple(_d.values())))

</pallas_src>

<mosaic_0001>
#map = affine_map<(d0, d1) -> (0)>
module attributes {stable_mosaic.version = 14 : i64} {
  func.func @body(%arg0: i32, %arg1: i32, %arg2: memref<19267584xf32, #tpu.memory_space<hbm>>, %arg3: memref<200704xi32, #tpu.memory_space<hbm>>, %arg4: memref<200704xf32, #tpu.memory_space<hbm>>, %arg5: memref<200704xf32, #tpu.memory_space<hbm>>, %arg6: memref<19267584xf32, #tpu.memory_space<hbm>>, %arg7: memref<50176xf32, #tpu.memory_space<vmem>>, %arg8: memref<50176xf32, #tpu.memory_space<vmem>>, %arg9: memref<2x1792xi32, #tpu.memory_space<vmem>>, %arg10: memref<2x1792xf32, #tpu.memory_space<vmem>>, %arg11: memref<2x1792xf32, #tpu.memory_space<vmem>>, %arg12: memref<2x1792xf32, #tpu.memory_space<vmem>>, %arg13: memref<2x1792xf32, #tpu.memory_space<vmem>>, %arg14: memref<!tpu.dma_semaphore, #tpu.memory_space<semaphore_mem>>, %arg15: memref<!tpu.dma_semaphore, #tpu.memory_space<semaphore_mem>>, %arg16: memref<!tpu.dma_semaphore, #tpu.memory_space<semaphore_mem>>, %arg17: memref<!tpu.dma_semaphore, #tpu.memory_space<semaphore_mem>>, %arg18: memref<!tpu.dma_semaphore, #tpu.memory_space<semaphore_mem>>) attributes {dimension_semantics = [#tpu.dimension_semantics<core_parallel>, #tpu.dimension_semantics<subcore_parallel>], iteration_bounds = array<i64: 2, 16>, scalar_prefetch = 0 : i64, scratch_operands = 12 : i64, tpu.core_type = #tpu.core_type<sc_vector_subcore>, window_params = [{transform_indices = #map}, {transform_indices = #map}, {transform_indices = #map}, {transform_indices = #map}, {transform_indices = #map}]} {
    %mul3A = arith.constant 16 : i32
    %mul3A_0 = arith.muli %arg0, %mul3A : i32
    %add3A = arith.addi %mul3A_0, %arg1 : i32
    %jit3A = arith.constant 8 : i32
    %div3A = arith.divsi %add3A, %jit3A : i32
    %sign3A = arith.constant 0 : i32
    %sign3A_1 = arith.cmpi sgt, %add3A, %sign3A : i32
    %sign3A_2 = arith.extui %sign3A_1 : i1 to i32
    %sign3A_3 = arith.constant 0 : i32
    %sign3A_4 = arith.cmpi slt, %add3A, %sign3A_3 : i32
    %sign3A_5 = arith.extui %sign3A_4 : i1 to i32
    %sign3A_6 = arith.subi %sign3A_2, %sign3A_5 : i32
    %sign3A_7 = arith.constant 0 : i32
    %sign3A_8 = arith.cmpi sgt, %jit3A, %sign3A_7 : i32
    %sign3A_9 = arith.extui %sign3A_8 : i1 to i32
    %sign3A_10 = arith.constant 0 : i32
    %sign3A_11 = arith.cmpi slt, %jit3A, %sign3A_10 : i32
    %sign3A_12 = arith.extui %sign3A_11 : i1 to i32
    %sign3A_13 = arith.subi %sign3A_9, %sign3A_12 : i32
    %ne3A = arith.cmpi ne, %sign3A_6, %sign3A_13 : i32
    %rem3A = arith.remsi %add3A, %jit3A : i32
    %ne3A_14 = arith.constant 0 : i32
    %ne3A_15 = arith.cmpi ne, %rem3A, %ne3A_14 : i32
    %and3A = arith.andi %ne3A, %ne3A_15 : i1
    %sub3A = arith.constant 1 : i32
    %sub3A_16 = arith.subi %div3A, %sub3A : i32
    %select_n3A = arith.select %and3A, %sub3A_16, %div3A : i32
    %mul3A_17 = arith.constant 50176 : i32
    %mul3A_18 = arith.muli %select_n3A, %mul3A_17 : i32
    %scan3A = arith.constant 0 : i32
    %scan3A_19 = arith.constant 0 : i32
    %scan3A_20 = arith.constant 6 : i32
    %scan3A_21 = arith.addi %scan3A_19, %scan3A_20 : i32
    %scan3A_22 = arith.constant 1 : i32
    scf.for %scan3A_83 = %scan3A_19 to %scan3A_21 step %scan3A_22  : i32 {
      %mul3A_84 = arith.constant 12 : i32
      %mul3A_85 = arith.muli %add3A, %mul3A_84 : i32
      %mul3A_86 = arith.constant 2 : i32
      %mul3A_87 = arith.muli %mul3A_86, %scan3A_83 : i32
      %add3A_88 = arith.addi %mul3A_85, %mul3A_87 : i32
      %add3A_89 = arith.constant 1 : i32
      %add3A_90 = arith.addi %add3A_88, %add3A_89 : i32
      %mul3A_91 = arith.constant 50176 : i32
      %mul3A_92 = arith.muli %add3A_88, %mul3A_91 : i32
      %dma_start3A = tpu.memref_slice %arg2[%mul3A_92] : memref<19267584xf32, #tpu.memory_space<hbm>> -> memref<50176xf32, #tpu.memory_space<hbm>>
      %dma_start3A_93 = tpu.memref_slice %arg2[%mul3A_92] : memref<19267584xf32, #tpu.memory_space<hbm>> -> memref<50176xf32, #tpu.memory_space<hbm>>
      tpu.enqueue_dma source(%dma_start3A_93 : memref<50176xf32, #tpu.memory_space<hbm>>) target(%arg7 : memref<50176xf32, #tpu.memory_space<vmem>>) target_semaphore(%arg14 : memref<!tpu.dma_semaphore, #tpu.memory_space<semaphore_mem>>)
      %mul3A_94 = arith.constant 50176 : i32
      %mul3A_95 = arith.muli %add3A_90, %mul3A_94 : i32
      %dma_start3A_96 = tpu.memref_slice %arg2[%mul3A_95] : memref<19267584xf32, #tpu.memory_space<hbm>> -> memref<50176xf32, #tpu.memory_space<hbm>>
      %dma_start3A_97 = tpu.memref_slice %arg2[%mul3A_95] : memref<19267584xf32, #tpu.memory_space<hbm>> -> memref<50176xf32, #tpu.memory_space<hbm>>
      tpu.enqueue_dma source(%dma_start3A_97 : memref<50176xf32, #tpu.memory_space<hbm>>) target(%arg8 : memref<50176xf32, #tpu.memory_space<vmem>>) target_semaphore(%arg14 : memref<!tpu.dma_semaphore, #tpu.memory_space<semaphore_mem>>)
      %add3A_98 = arith.constant 0 : i32
      %add3A_99 = arith.addi %mul3A_18, %add3A_98 : i32
      %dma_start3A_100 = arith.constant 0 : i32
      %dma_start3A_101 = arith.constant 0 : i32
      %dma_start3A_102 = tpu.memref_slice %arg9[%dma_start3A_100, %dma_start3A_101] : memref<2x1792xi32, #tpu.memory_space<vmem>> -> memref<1x1792xi32, #tpu.memory_space<vmem>>
      %dma_start3A_103 = tpu.memref_squeeze %dma_start3A_102 : memref<1x1792xi32, #tpu.memory_space<vmem>> -> memref<1792xi32, #tpu.memory_space<vmem>>
      %dma_start3A_104 = tpu.memref_slice %arg3[%add3A_99] : memref<200704xi32, #tpu.memory_space<hbm>> -> memref<1792xi32, #tpu.memory_space<hbm>>
      %dma_start3A_105 = arith.constant 0 : i32
      %dma_start3A_106 = tpu.memref_slice %arg9[%dma_start3A_100, %dma_start3A_105] : memref<2x1792xi32, #tpu.memory_space<vmem>> -> memref<1x1792xi32, #tpu.memory_space<vmem>>
      %dma_start3A_107 = tpu.memref_squeeze %dma_start3A_106 : memref<1x1792xi32, #tpu.memory_space<vmem>> -> memref<1792xi32, #tpu.memory_space<vmem>>
      %dma_start3A_108 = tpu.memref_slice %arg3[%add3A_99] : memref<200704xi32, #tpu.memory_space<hbm>> -> memref<1792xi32, #tpu.memory_space<hbm>>
      tpu.enqueue_dma source(%dma_start3A_108 : memref<1792xi32, #tpu.memory_space<hbm>>) target(%dma_start3A_107 : memref<1792xi32, #tpu.memory_space<vmem>>) target_semaphore(%arg15 : memref<!tpu.dma_semaphore, #tpu.memory_space<semaphore_mem>>)
      %dma_start3A_109 = arith.constant 0 : i32
      %dma_start3A_110 = arith.constant 0 : i32
      %dma_start3A_111 = tpu.memref_slice %arg10[%dma_start3A_109, %dma_start3A_110] : memref<2x1792xf32, #tpu.memory_space<vmem>> -> memref<1x1792xf32, #tpu.memory_space<vmem>>
      %dma_start3A_112 = tpu.memref_squeeze %dma_start3A_111 : memref<1x1792xf32, #tpu.memory_space<vmem>> -> memref<1792xf32, #tpu.memory_space<vmem>>
      %dma_start3A_113 = tpu.memref_slice %arg4[%add3A_99] : memref<200704xf32, #tpu.memory_space<hbm>> -> memref<1792xf32, #tpu.memory_space<hbm>>
      %dma_start3A_114 = arith.constant 0 : i32
      %dma_start3A_115 = tpu.memref_slice %arg10[%dma_start3A_109, %dma_start3A_114] : memref<2x1792xf32, #tpu.memory_space<vmem>> -> memref<1x1792xf32, #tpu.memory_space<vmem>>
      %dma_start3A_116 = tpu.memref_squeeze %dma_start3A_115 : memref<1x1792xf32, #tpu.memory_space<vmem>> -> memref<1792xf32, #tpu.memory_space<vmem>>
      %dma_start3A_117 = tpu.memref_slice %arg4[%add3A_99] : memref<200704xf32, #tpu.memory_space<hbm>> -> memref<1792xf32, #tpu.memory_space<hbm>>
      tpu.enqueue_dma source(%dma_start3A_117 : memref<1792xf32, #tpu.memory_space<hbm>>) target(%dma_start3A_116 : memref<1792xf32, #tpu.memory_space<vmem>>) target_semaphore(%arg15 : memref<!tpu.dma_semaphore, #tpu.memory_space<semaphore_mem>>)
      %dma_start3A_118 = arith.constant 0 : i32
      %dma_start3A_119 = arith.constant 0 : i32
      %dma_start3A_120 = tpu.memref_slice %arg11[%dma_start3A_118, %dma_start3A_119] : memref<2x1792xf32, #tpu.memory_space<vmem>> -> memref<1x1792xf32, #tpu.memory_space<vmem>>
      %dma_start3A_121 = tpu.memref_squeeze %dma_start3A_120 : memref<1x1792xf32, #tpu.memory_space<vmem>> -> memref<1792xf32, #tpu.memory_space<vmem>>
      %dma_start3A_122 = tpu.memref_slice %arg5[%add3A_99] : memref<200704xf32, #tpu.memory_space<hbm>> -> memref<1792xf32, #tpu.memory_space<hbm>>
      %dma_start3A_123 = arith.constant 0 : i32
      %dma_start3A_124 = tpu.memref_slice %arg11[%dma_start3A_118, %dma_start3A_123] : memref<2x1792xf32, #tpu.memory_space<vmem>> -> memref<1x1792xf32, #tpu.memory_space<vmem>>
      %dma_start3A_125 = tpu.memref_squeeze %dma_start3A_124 : memref<1x1792xf32, #tpu.memory_space<vmem>> -> memref<1792xf32, #tpu.memory_space<vmem>>
      %dma_start3A_126 = tpu.memref_slice %arg5[%add3A_99] : memref<200704xf32, #tpu.memory_space<hbm>> -> memref<1792xf32, #tpu.memory_space<hbm>>
      tpu.enqueue_dma source(%dma_start3A_126 : memref<1792xf32, #tpu.memory_space<hbm>>) target(%dma_start3A_125 : memref<1792xf32, #tpu.memory_space<vmem>>) target_semaphore(%arg15 : memref<!tpu.dma_semaphore, #tpu.memory_space<semaphore_mem>>)
      %gt3A = arith.constant 0 : i32
      %gt3A_127 = arith.cmpi sgt, %scan3A_83, %gt3A : i32
      %convert_element_type3A = arith.extui %gt3A_127 : i1 to i32
      %cond3A = arith.constant 0 : i32
      %cond3A_128 = arith.cmpi ne, %convert_element_type3A, %cond3A : i32
      scf.if %cond3A_128 {
        %sub3A_143 = arith.constant 2 : i32
        %sub3A_144 = arith.subi %add3A_88, %sub3A_143 : i32
        %add3A_145 = arith.constant 1 : i32
        %add3A_146 = arith.addi %sub3A_144, %add3A_145 : i32
        %mul3A_147 = arith.constant 50176 : i32
        %mul3A_148 = arith.muli %sub3A_144, %mul3A_147 : i32
        %add3A_149 = arith.constant 46592 : i32
        %add3A_150 = arith.addi %mul3A_148, %add3A_149 : i32
        %dma_wait3A_151 = arith.constant 0 : i32
        %dma_wait3A_152 = arith.constant 0 : i32
        %dma_wait3A_153 = tpu.memref_slice %arg12[%dma_wait3A_151, %dma_wait3A_152] : memref<2x1792xf32, #tpu.memory_space<vmem>> -> memref<1x1792xf32, #tpu.memory_space<vmem>>
        %dma_wait3A_154 = tpu.memref_squeeze %dma_wait3A_153 : memref<1x1792xf32, #tpu.memory_space<vmem>> -> memref<1792xf32, #tpu.memory_space<vmem>>
        %dma_wait3A_155 = tpu.memref_slice %arg6[%add3A_150] : memref<19267584xf32, #tpu.memory_space<hbm>> -> memref<1792xf32, #tpu.memory_space<hbm>>
        %dma_wait3A_156 = tpu.memref_slice %arg6[%add3A_150] : memref<19267584xf32, #tpu.memory_space<hbm>> -> memref<1792xf32, #tpu.memory_space<hbm>>
        %dma_wait3A_157 = arith.constant 0 : i32
        %dma_wait3A_158 = tpu.memref_slice %arg12[%dma_wait3A_151, %dma_wait3A_157] : memref<2x1792xf32, #tpu.memory_space<vmem>> -> memref<1x1792xf32, #tpu.memory_space<vmem>>
        %dma_wait3A_159 = tpu.memref_squeeze %dma_wait3A_158 : memref<1x1792xf32, #tpu.memory_space<vmem>> -> memref<1792xf32, #tpu.memory_space<vmem>>
        tpu.wait_dma2 semaphore(%arg17 : memref<!tpu.dma_semaphore, #tpu.memory_space<semaphore_mem>>) src(%dma_wait3A_159 : memref<1792xf32, #tpu.memory_space<vmem>>) dst(%dma_wait3A_156 : memref<1792xf32, #tpu.memory_space<hbm>>)
        %mul3A_160 = arith.constant 50176 : i32
        %mul3A_161 = arith.muli %add3A_146, %mul3A_160 : i32
        %add3A_162 = arith.constant 46592 : i32
        %add3A_163 = arith.addi %mul3A_161, %add3A_162 : i32
        %dma_wait3A_164 = arith.constant 0 : i32
        %dma_wait3A_165 = arith.constant 0 : i32
        %dma_wait3A_166 = tpu.memref_slice %arg13[%dma_wait3A_164, %dma_wait3A_165] : memref<2x1792xf32, #tpu.memory_space<vmem>> -> memref<1x1792xf32, #tpu.memory_space<vmem>>
        %dma_wait3A_167 = tpu.memref_squeeze %dma_wait3A_166 : memref<1x1792xf32, #tpu.memory_space<vmem>> -> memref<1792xf32, #tpu.memory_space<vmem>>
        %dma_wait3A_168 = tpu.memref_slice %arg6[%add3A_163] : memref<19267584xf32, #tpu.memory_space<hbm>> -> memref<1792xf32, #tpu.memory_space<hbm>>
        %dma_wait3A_169 = tpu.memref_slice %arg6[%add3A_163] : memref<19267584xf32, #tpu.memory_space<hbm>> -> memref<1792xf32, #tpu.memory_space<hbm>>
        %dma_wait3A_170 = arith.constant 0 : i32
        %dma_wait3A_171 = tpu.memref_slice %arg13[%dma_wait3A_164, %dma_wait3A_170] : memref<2x1792xf32, #tpu.memory_space<vmem>> -> memref<1x1792xf32, #tpu.memory_space<vmem>>
        %dma_wait3A_172 = tpu.memref_squeeze %dma_wait3A_171 : memref<1x1792xf32, #tpu.memory_space<vmem>> -> memref<1792xf32, #tpu.memory_space<vmem>>
        tpu.wait_dma2 semaphore(%arg17 : memref<!tpu.dma_semaphore, #tpu.memory_space<semaphore_mem>>) src(%dma_wait3A_172 : memref<1792xf32, #tpu.memory_space<vmem>>) dst(%dma_wait3A_169 : memref<1792xf32, #tpu.memory_space<hbm>>)
        %mul3A_173 = arith.constant 50176 : i32
        %mul3A_174 = arith.muli %sub3A_144, %mul3A_173 : i32
        %add3A_175 = arith.constant 48384 : i32
        %add3A_176 = arith.addi %mul3A_174, %add3A_175 : i32
        %dma_wait3A_177 = arith.constant 1 : i32
        %dma_wait3A_178 = arith.constant 0 : i32
        %dma_wait3A_179 = tpu.memref_slice %arg12[%dma_wait3A_177, %dma_wait3A_178] : memref<2x1792xf32, #tpu.memory_space<vmem>> -> memref<1x1792xf32, #tpu.memory_space<vmem>>
        %dma_wait3A_180 = tpu.memref_squeeze %dma_wait3A_179 : memref<1x1792xf32, #tpu.memory_space<vmem>> -> memref<1792xf32, #tpu.memory_space<vmem>>
        %dma_wait3A_181 = tpu.memref_slice %arg6[%add3A_176] : memref<19267584xf32, #tpu.memory_space<hbm>> -> memref<1792xf32, #tpu.memory_space<hbm>>
        %dma_wait3A_182 = tpu.memref_slice %arg6[%add3A_176] : memref<19267584xf32, #tpu.memory_space<hbm>> -> memref<1792xf32, #tpu.memory_space<hbm>>
        %dma_wait3A_183 = arith.constant 0 : i32
        %dma_wait3A_184 = tpu.memref_slice %arg12[%dma_wait3A_177, %dma_wait3A_183] : memref<2x1792xf32, #tpu.memory_space<vmem>> -> memref<1x1792xf32, #tpu.memory_space<vmem>>
        %dma_wait3A_185 = tpu.memref_squeeze %dma_wait3A_184 : memref<1x1792xf32, #tpu.memory_space<vmem>> -> memref<1792xf32, #tpu.memory_space<vmem>>
        tpu.wait_dma2 semaphore(%arg18 : memref<!tpu.dma_semaphore, #tpu.memory_space<semaphore_mem>>) src(%dma_wait3A_185 : memref<1792xf32, #tpu.memory_space<vmem>>) dst(%dma_wait3A_182 : memref<1792xf32, #tpu.memory_space<hbm>>)
        %mul3A_186 = arith.constant 50176 : i32
        %mul3A_187 = arith.muli %add3A_146, %mul3A_186 : i32
        %add3A_188 = arith.constant 48384 : i32
        %add3A_189 = arith.addi %mul3A_187, %add3A_188 : i32
        %dma_wait3A_190 = arith.constant 1 : i32
        %dma_wait3A_191 = arith.constant 0 : i32
        %dma_wait3A_192 = tpu.memref_slice %arg13[%dma_wait3A_190, %dma_wait3A_191] : memref<2x1792xf32, #tpu.memory_space<vmem>> -> memref<1x1792xf32, #tpu.memory_space<vmem>>
        %dma_wait3A_193 = tpu.memref_squeeze %dma_wait3A_192 : memref<1x1792xf32, #tpu.memory_space<vmem>> -> memref<1792xf32, #tpu.memory_space<vmem>>
        %dma_wait3A_194 = tpu.memref_slice %arg6[%add3A_189] : memref<19267584xf32, #tpu.memory_space<hbm>> -> memref<1792xf32, #tpu.memory_space<hbm>>
        %dma_wait3A_195 = tpu.memref_slice %arg6[%add3A_189] : memref<19267584xf32, #tpu.memory_space<hbm>> -> memref<1792xf32, #tpu.memory_space<hbm>>
        %dma_wait3A_196 = arith.constant 0 : i32
        %dma_wait3A_197 = tpu.memref_slice %arg13[%dma_wait3A_190, %dma_wait3A_196] : memref<2x1792xf32, #tpu.memory_space<vmem>> -> memref<1x1792xf32, #tpu.memory_space<vmem>>
        %dma_wait3A_198 = tpu.memref_squeeze %dma_wait3A_197 : memref<1x1792xf32, #tpu.memory_space<vmem>> -> memref<1792xf32, #tpu.memory_space<vmem>>
        tpu.wait_dma2 semaphore(%arg18 : memref<!tpu.dma_semaphore, #tpu.memory_space<semaphore_mem>>) src(%dma_wait3A_198 : memref<1792xf32, #tpu.memory_space<vmem>>) dst(%dma_wait3A_195 : memref<1792xf32, #tpu.memory_space<hbm>>)
      } else {
      }
      %mul3A_129 = arith.constant 50176 : i32
      %mul3A_130 = arith.muli %add3A_88, %mul3A_129 : i32
      %dma_wait3A_131 = tpu.memref_slice %arg2[%mul3A_130] : memref<19267584xf32, #tpu.memory_space<hbm>> -> memref<50176xf32, #tpu.memory_space<hbm>>
      %dma_wait3A_132 = tpu.memref_slice %arg2[%mul3A_130] : memref<19267584xf32, #tpu.memory_space<hbm>> -> memref<50176xf32, #tpu.memory_space<hbm>>
      tpu.wait_dma2 semaphore(%arg14 : memref<!tpu.dma_semaphore, #tpu.memory_space<semaphore_mem>>) src(%dma_wait3A_132 : memref<50176xf32, #tpu.memory_space<hbm>>) dst(%arg7 : memref<50176xf32, #tpu.memory_space<vmem>>)
      %mul3A_133 = arith.constant 50176 : i32
      %mul3A_134 = arith.muli %add3A_90, %mul3A_133 : i32
      %dma_wait3A_135 = tpu.memref_slice %arg2[%mul3A_134] : memref<19267584xf32, #tpu.memory_space<hbm>> -> memref<50176xf32, #tpu.memory_space<hbm>>
      %dma_wait3A_136 = tpu.memref_slice %arg2[%mul3A_134] : memref<19267584xf32, #tpu.memory_space<hbm>> -> memref<50176xf32, #tpu.memory_space<hbm>>
      tpu.wait_dma2 semaphore(%arg14 : memref<!tpu.dma_semaphore, #tpu.memory_space<semaphore_mem>>) src(%dma_wait3A_136 : memref<50176xf32, #tpu.memory_space<hbm>>) dst(%arg8 : memref<50176xf32, #tpu.memory_space<vmem>>)
      %scan3A_137 = arith.constant 0 : i32
      %scan3A_138 = arith.constant 0 : i32
      %scan3A_139 = arith.constant 14 : i32
      %scan3A_140 = arith.addi %scan3A_138, %scan3A_139 : i32
      %scan3A_141 = arith.constant 1 : i32
      scf.for %scan3A_143 = %scan3A_138 to %scan3A_140 step %scan3A_141  : i32 {
        %mul3A_144 = arith.constant 2 : i32
        %mul3A_145 = arith.muli %mul3A_144, %scan3A_143 : i32
        %add3A_146 = arith.constant 1 : i32
        %add3A_147 = arith.addi %mul3A_145, %add3A_146 : i32
        %mul3A_148 = arith.constant 1792 : i32
        %mul3A_149 = arith.muli %add3A_147, %mul3A_148 : i32
        %add3A_150 = arith.addi %mul3A_18, %mul3A_149 : i32
        %dma_start3A_151 = arith.constant 1 : i32
        %dma_start3A_152 = arith.constant 0 : i32
        %dma_start3A_153 = tpu.memref_slice %arg9[%dma_start3A_151, %dma_start3A_152] : memref<2x1792xi32, #tpu.memory_space<vmem>> -> memref<1x1792xi32, #tpu.memory_space<vmem>>
        %dma_start3A_154 = tpu.memref_squeeze %dma_start3A_153 : memref<1x1792xi32, #tpu.memory_space<vmem>> -> memref<1792xi32, #tpu.memory_space<vmem>>
        %dma_start3A_155 = tpu.memref_slice %arg3[%add3A_150] : memref<200704xi32, #tpu.memory_space<hbm>> -> memref<1792xi32, #tpu.memory_space<hbm>>
        %dma_start3A_156 = arith.constant 0 : i32
        %dma_start3A_157 = tpu.memref_slice %arg9[%dma_start3A_151, %dma_start3A_156] : memref<2x1792xi32, #tpu.memory_space<vmem>> -> memref<1x1792xi32, #tpu.memory_space<vmem>>
        %dma_start3A_158 = tpu.memref_squeeze %dma_start3A_157 : memref<1x1792xi32, #tpu.memory_space<vmem>> -> memref<1792xi32, #tpu.memory_space<vmem>>
        %dma_start3A_159 = tpu.memref_slice %arg3[%add3A_150] : memref<200704xi32, #tpu.memory_space<hbm>> -> memref<1792xi32, #tpu.memory_space<hbm>>
        tpu.enqueue_dma source(%dma_start3A_159 : memref<1792xi32, #tpu.memory_space<hbm>>) target(%dma_start3A_158 : memref<1792xi32, #tpu.memory_space<vmem>>) target_semaphore(%arg16 : memref<!tpu.dma_semaphore, #tpu.memory_space<semaphore_mem>>)
        %dma_start3A_160 = arith.constant 1 : i32
        %dma_start3A_161 = arith.constant 0 : i32
        %dma_start3A_162 = tpu.memref_slice %arg10[%dma_start3A_160, %dma_start3A_161] : memref<2x1792xf32, #tpu.memory_space<vmem>> -> memref<1x1792xf32, #tpu.memory_space<vmem>>
        %dma_start3A_163 = tpu.memref_squeeze %dma_start3A_162 : memref<1x1792xf32, #tpu.memory_space<vmem>> -> memref<1792xf32, #tpu.memory_space<vmem>>
        %dma_start3A_164 = tpu.memref_slice %arg4[%add3A_150] : memref<200704xf32, #tpu.memory_space<hbm>> -> memref<1792xf32, #tpu.memory_space<hbm>>
        %dma_start3A_165 = arith.constant 0 : i32
        %dma_start3A_166 = tpu.memref_slice %arg10[%dma_start3A_160, %dma_start3A_165] : memref<2x1792xf32, #tpu.memory_space<vmem>> -> memref<1x1792xf32, #tpu.memory_space<vmem>>
        %dma_start3A_167 = tpu.memref_squeeze %dma_start3A_166 : memref<1x1792xf32, #tpu.memory_space<vmem>> -> memref<1792xf32, #tpu.memory_space<vmem>>
        %dma_start3A_168 = tpu.memref_slice %arg4[%add3A_150] : memref<200704xf32, #tpu.memory_space<hbm>> -> memref<1792xf32, #tpu.memory_space<hbm>>
        tpu.enqueue_dma source(%dma_start3A_168 : memref<1792xf32, #tpu.memory_space<hbm>>) target(%dma_start3A_167 : memref<1792xf32, #tpu.memory_space<vmem>>) target_semaphore(%arg16 : memref<!tpu.dma_semaphore, #tpu.memory_space<semaphore_mem>>)
        %dma_start3A_169 = arith.constant 1 : i32
        %dma_start3A_170 = arith.constant 0 : i32
        %dma_start3A_171 = tpu.memref_slice %arg11[%dma_start3A_169, %dma_start3A_170] : memref<2x1792xf32, #tpu.memory_space<vmem>> -> memref<1x1792xf32, #tpu.memory_space<vmem>>
        %dma_start3A_172 = tpu.memref_squeeze %dma_start3A_171 : memref<1x1792xf32, #tpu.memory_space<vmem>> -> memref<1792xf32, #tpu.memory_space<vmem>>
        %dma_start3A_173 = tpu.memref_slice %arg5[%add3A_150] : memref<200704xf32, #tpu.memory_space<hbm>> -> memref<1792xf32, #tpu.memory_space<hbm>>
        %dma_start3A_174 = arith.constant 0 : i32
        %dma_start3A_175 = tpu.memref_slice %arg11[%dma_start3A_169, %dma_start3A_174] : memref<2x1792xf32, #tpu.memory_space<vmem>> -> memref<1x1792xf32, #tpu.memory_space<vmem>>
        %dma_start3A_176 = tpu.memref_squeeze %dma_start3A_175 : memref<1x1792xf32, #tpu.memory_space<vmem>> -> memref<1792xf32, #tpu.memory_space<vmem>>
        %dma_start3A_177 = tpu.memref_slice %arg5[%add3A_150] : memref<200704xf32, #tpu.memory_space<hbm>> -> memref<1792xf32, #tpu.memory_space<hbm>>
        tpu.enqueue_dma source(%dma_start3A_177 : memref<1792xf32, #tpu.memory_space<hbm>>) target(%dma_start3A_176 : memref<1792xf32, #tpu.memory_space<vmem>>) target_semaphore(%arg16 : memref<!tpu.dma_semaphore, #tpu.memory_space<semaphore_mem>>)
        %mul3A_178 = arith.constant 1792 : i32
        %mul3A_179 = arith.muli %mul3A_145, %mul3A_178 : i32
        %add3A_180 = arith.addi %mul3A_18, %mul3A_179 : i32
        %dma_wait3A_181 = arith.constant 0 : i32
        %dma_wait3A_182 = arith.constant 0 : i32
        %dma_wait3A_183 = tpu.memref_slice %arg9[%dma_wait3A_181, %dma_wait3A_182] : memref<2x1792xi32, #tpu.memory_space<vmem>> -> memref<1x1792xi32, #tpu.memory_space<vmem>>
        %dma_wait3A_184 = tpu.memref_squeeze %dma_wait3A_183 : memref<1x1792xi32, #tpu.memory_space<vmem>> -> memref<1792xi32, #tpu.memory_space<vmem>>
        %dma_wait3A_185 = tpu.memref_slice %arg3[%add3A_180] : memref<200704xi32, #tpu.memory_space<hbm>> -> memref<1792xi32, #tpu.memory_space<hbm>>
        %dma_wait3A_186 = arith.constant 0 : i32
        %dma_wait3A_187 = tpu.memref_slice %arg9[%dma_wait3A_181, %dma_wait3A_186] : memref<2x1792xi32, #tpu.memory_space<vmem>> -> memref<1x1792xi32, #tpu.memory_space<vmem>>
        %dma_wait3A_188 = tpu.memref_squeeze %dma_wait3A_187 : memref<1x1792xi32, #tpu.memory_space<vmem>> -> memref<1792xi32, #tpu.memory_space<vmem>>
        %dma_wait3A_189 = tpu.memref_slice %arg3[%add3A_180] : memref<200704xi32, #tpu.memory_space<hbm>> -> memref<1792xi32, #tpu.memory_space<hbm>>
        tpu.wait_dma2 semaphore(%arg15 : memref<!tpu.dma_semaphore, #tpu.memory_space<semaphore_mem>>) src(%dma_wait3A_189 : memref<1792xi32, #tpu.memory_space<hbm>>) dst(%dma_wait3A_188 : memref<1792xi32, #tpu.memory_space<vmem>>)
        %dma_wait3A_190 = arith.constant 0 : i32
        %dma_wait3A_191 = arith.constant 0 : i32
        %dma_wait3A_192 = tpu.memref_slice %arg10[%dma_wait3A_190, %dma_wait3A_191] : memref<2x1792xf32, #tpu.memory_space<vmem>> -> memref<1x1792xf32, #tpu.memory_space<vmem>>
        %dma_wait3A_193 = tpu.memref_squeeze %dma_wait3A_192 : memref<1x1792xf32, #tpu.memory_space<vmem>> -> memref<1792xf32, #tpu.memory_space<vmem>>
        %dma_wait3A_194 = tpu.memref_slice %arg4[%add3A_180] : memref<200704xf32, #tpu.memory_space<hbm>> -> memref<1792xf32, #tpu.memory_space<hbm>>
        %dma_wait3A_195 = arith.constant 0 : i32
        %dma_wait3A_196 = tpu.memref_slice %arg10[%dma_wait3A_190, %dma_wait3A_195] : memref<2x1792xf32, #tpu.memory_space<vmem>> -> memref<1x1792xf32, #tpu.memory_space<vmem>>
        %dma_wait3A_197 = tpu.memref_squeeze %dma_wait3A_196 : memref<1x1792xf32, #tpu.memory_space<vmem>> -> memref<1792xf32, #tpu.memory_space<vmem>>
        %dma_wait3A_198 = tpu.memref_slice %arg4[%add3A_180] : memref<200704xf32, #tpu.memory_space<hbm>> -> memref<1792xf32, #tpu.memory_space<hbm>>
        tpu.wait_dma2 semaphore(%arg15 : memref<!tpu.dma_semaphore, #tpu.memory_space<semaphore_mem>>) src(%dma_wait3A_198 : memref<1792xf32, #tpu.memory_space<hbm>>) dst(%dma_wait3A_197 : memref<1792xf32, #tpu.memory_space<vmem>>)
        %dma_wait3A_199 = arith.constant 0 : i32
        %dma_wait3A_200 = arith.constant 0 : i32
        %dma_wait3A_201 = tpu.memref_slice %arg11[%dma_wait3A_199, %dma_wait3A_200] : memref<2x1792xf32, #tpu.memory_space<vmem>> -> memref<1x1792xf32, #tpu.memory_space<vmem>>
        %dma_wait3A_202 = tpu.memref_squeeze %dma_wait3A_201 : memref<1x1792xf32, #tpu.memory_space<vmem>> -> memref<1792xf32, #tpu.memory_space<vmem>>
        %dma_wait3A_203 = tpu.memref_slice %arg5[%add3A_180] : memref<200704xf32, #tpu.memory_space<hbm>> -> memref<1792xf32, #tpu.memory_space<hbm>>
        %dma_wait3A_204 = arith.constant 0 : i32
        %dma_wait3A_205 = tpu.memref_slice %arg11[%dma_wait3A_199, %dma_wait3A_204] : memref<2x1792xf32, #tpu.memory_space<vmem>> -> memref<1x1792xf32, #tpu.memory_space<vmem>>
        %dma_wait3A_206 = tpu.memref_squeeze %dma_wait3A_205 : memref<1x1792xf32, #tpu.memory_space<vmem>> -> memref<1792xf32, #tpu.memory_space<vmem>>
        %dma_wait3A_207 = tpu.memref_slice %arg5[%add3A_180] : memref<200704xf32, #tpu.memory_space<hbm>> -> memref<1792xf32, #tpu.memory_space<hbm>>
        tpu.wait_dma2 semaphore(%arg15 : memref<!tpu.dma_semaphore, #tpu.memory_space<semaphore_mem>>) src(%dma_wait3A_207 : memref<1792xf32, #tpu.memory_space<hbm>>) dst(%dma_wait3A_206 : memref<1792xf32, #tpu.memory_space<vmem>>)
        %gt3A_208 = arith.constant 0 : i32
        %gt3A_209 = arith.cmpi sgt, %scan3A_143, %gt3A_208 : i32
        %convert_element_type3A_210 = arith.extui %gt3A_209 : i1 to i32
        %cond3A_211 = arith.constant 0 : i32
        %cond3A_212 = arith.cmpi ne, %convert_element_type3A_210, %cond3A_211 : i32
        scf.if %cond3A_212 {
          %sub3A_315 = arith.constant 2 : i32
          %sub3A_316 = arith.subi %mul3A_145, %sub3A_315 : i32
          %mul3A_317 = arith.constant 50176 : i32
          %mul3A_318 = arith.muli %add3A_88, %mul3A_317 : i32
          %mul3A_319 = arith.constant 1792 : i32
          %mul3A_320 = arith.muli %sub3A_316, %mul3A_319 : i32
          %add3A_321 = arith.addi %mul3A_318, %mul3A_320 : i32
          %dma_wait3A_322 = arith.constant 0 : i32
          %dma_wait3A_323 = arith.constant 0 : i32
          %dma_wait3A_324 = tpu.memref_slice %arg12[%dma_wait3A_322, %dma_wait3A_323] : memref<2x1792xf32, #tpu.memory_space<vmem>> -> memref<1x1792xf32, #tpu.memory_space<vmem>>
          %dma_wait3A_325 = tpu.memref_squeeze %dma_wait3A_324 : memref<1x1792xf32, #tpu.memory_space<vmem>> -> memref<1792xf32, #tpu.memory_space<vmem>>
          %dma_wait3A_326 = tpu.memref_slice %arg6[%add3A_321] : memref<19267584xf32, #tpu.memory_space<hbm>> -> memref<1792xf32, #tpu.memory_space<hbm>>
          %dma_wait3A_327 = tpu.memref_slice %arg6[%add3A_321] : memref<19267584xf32, #tpu.memory_space<hbm>> -> memref<1792xf32, #tpu.memory_space<hbm>>
          %dma_wait3A_328 = arith.constant 0 : i32
          %dma_wait3A_329 = tpu.memref_slice %arg12[%dma_wait3A_322, %dma_wait3A_328] : memref<2x1792xf32, #tpu.memory_space<vmem>> -> memref<1x1792xf32, #tpu.memory_space<vmem>>
          %dma_wait3A_330 = tpu.memref_squeeze %dma_wait3A_329 : memref<1x1792xf32, #tpu.memory_space<vmem>> -> memref<1792xf32, #tpu.memory_space<vmem>>
          tpu.wait_dma2 semaphore(%arg17 : memref<!tpu.dma_semaphore, #tpu.memory_space<semaphore_mem>>) src(%dma_wait3A_330 : memref<1792xf32, #tpu.memory_space<vmem>>) dst(%dma_wait3A_327 : memref<1792xf32, #tpu.memory_space<hbm>>)
          %mul3A_331 = arith.constant 50176 : i32
          %mul3A_332 = arith.muli %add3A_90, %mul3A_331 : i32
          %mul3A_333 = arith.constant 1792 : i32
          %mul3A_334 = arith.muli %sub3A_316, %mul3A_333 : i32
          %add3A_335 = arith.addi %mul3A_332, %mul3A_334 : i32
          %dma_wait3A_336 = arith.constant 0 : i32
          %dma_wait3A_337 = arith.constant 0 : i32
          %dma_wait3A_338 = tpu.memref_slice %arg13[%dma_wait3A_336, %dma_wait3A_337] : memref<2x1792xf32, #tpu.memory_space<vmem>> -> memref<1x1792xf32, #tpu.memory_space<vmem>>
          %dma_wait3A_339 = tpu.memref_squeeze %dma_wait3A_338 : memref<1x1792xf32, #tpu.memory_space<vmem>> -> memref<1792xf32, #tpu.memory_space<vmem>>
          %dma_wait3A_340 = tpu.memref_slice %arg6[%add3A_335] : memref<19267584xf32, #tpu.memory_space<hbm>> -> memref<1792xf32, #tpu.memory_space<hbm>>
          %dma_wait3A_341 = tpu.memref_slice %arg6[%add3A_335] : memref<19267584xf32, #tpu.memory_space<hbm>> -> memref<1792xf32, #tpu.memory_space<hbm>>
          %dma_wait3A_342 = arith.constant 0 : i32
          %dma_wait3A_343 = tpu.memref_slice %arg13[%dma_wait3A_336, %dma_wait3A_342] : memref<2x1792xf32, #tpu.memory_space<vmem>> -> memref<1x1792xf32, #tpu.memory_space<vmem>>
          %dma_wait3A_344 = tpu.memref_squeeze %dma_wait3A_343 : memref<1x1792xf32, #tpu.memory_space<vmem>> -> memref<1792xf32, #tpu.memory_space<vmem>>
          tpu.wait_dma2 semaphore(%arg17 : memref<!tpu.dma_semaphore, #tpu.memory_space<semaphore_mem>>) src(%dma_wait3A_344 : memref<1792xf32, #tpu.memory_space<vmem>>) dst(%dma_wait3A_341 : memref<1792xf32, #tpu.memory_space<hbm>>)
        } else {
        }
        %parallel_loop3A = arith.constant 0 : i32
        %parallel_loop3A_213 = arith.constant 112 : i32
        %parallel_loop3A_214 = arith.constant 1 : i32
        scf.for %parallel_loop3A_315 = %parallel_loop3A to %parallel_loop3A_213 step %parallel_loop3A_214  : i32 {
          %parallel_loop3A_316 = arith.constant 16 : i32
          %parallel_loop3A_317 = arith.muli %parallel_loop3A_315, %parallel_loop3A_316 : i32
          %parallel_loop3A_318 = arith.constant 0 : i32
          %parallel_loop3A_319 = arith.index_cast %parallel_loop3A_318 : i32 to index
          %parallel_loop3A_320 = arith.index_cast %parallel_loop3A_317 : i32 to index
          %parallel_loop3A_321 = tpu.vector_load %arg9[%parallel_loop3A_319, %parallel_loop3A_320] {strides = array<i32>} : memref<2x1792xi32, #tpu.memory_space<vmem>>, vector<16xi32>,
          %parallel_loop3A_322 = arith.constant 0 : i32
          %parallel_loop3A_323 = arith.index_cast %parallel_loop3A_322 : i32 to index
          %parallel_loop3A_324 = arith.index_cast %parallel_loop3A_317 : i32 to index
          %parallel_loop3A_325 = tpu.vector_load %arg10[%parallel_loop3A_323, %parallel_loop3A_324] {strides = array<i32>} : memref<2x1792xf32, #tpu.memory_space<vmem>>, vector<16xf32>,
          %parallel_loop3A_326 = arith.constant 0 : i32
          %parallel_loop3A_327 = arith.index_cast %parallel_loop3A_326 : i32 to index
          %parallel_loop3A_328 = arith.index_cast %parallel_loop3A_317 : i32 to index
          %parallel_loop3A_329 = tpu.vector_load %arg11[%parallel_loop3A_327, %parallel_loop3A_328] {strides = array<i32>} : memref<2x1792xf32, #tpu.memory_space<vmem>>, vector<16xf32>,
          %parallel_loop3A_330 = arith.constant 1.000000e+00 : f32
          %parallel_loop3A_331 = vector.broadcast %parallel_loop3A_330 : f32 to vector<16xf32>
          %parallel_loop3A_332 = arith.subf %parallel_loop3A_331, %parallel_loop3A_325 : vector<16xf32>
          %parallel_loop3A_333 = arith.constant 1.000000e+00 : f32
          %parallel_loop3A_334 = vector.broadcast %parallel_loop3A_333 : f32 to vector<16xf32>
          %parallel_loop3A_335 = arith.subf %parallel_loop3A_334, %parallel_loop3A_329 : vector<16xf32>
          %parallel_loop3A_336 = arith.constant 1 : i32
          %parallel_loop3A_337 = vector.broadcast %parallel_loop3A_336 : i32 to vector<16xi32>
          %parallel_loop3A_338 = arith.addi %parallel_loop3A_321, %parallel_loop3A_337 : vector<16xi32>
          %parallel_loop3A_339 = arith.constant 224 : i32
          %parallel_loop3A_340 = vector.broadcast %parallel_loop3A_339 : i32 to vector<16xi32>
          %parallel_loop3A_341 = arith.addi %parallel_loop3A_321, %parallel_loop3A_340 : vector<16xi32>
          %parallel_loop3A_342 = arith.constant 225 : i32
          %parallel_loop3A_343 = vector.broadcast %parallel_loop3A_342 : i32 to vector<16xi32>
          %parallel_loop3A_344 = arith.addi %parallel_loop3A_321, %parallel_loop3A_343 : vector<16xi32>
          %parallel_loop3A_345 = tpu.vector_load_idx %arg7[%parallel_loop3A_321] : memref<50176xf32, #tpu.memory_space<vmem>>[vector<16xi32>], vector<16xf32>,
          %parallel_loop3A_346 = tpu.vector_load_idx %arg7[%parallel_loop3A_338] : memref<50176xf32, #tpu.memory_space<vmem>>[vector<16xi32>], vector<16xf32>,
          %parallel_loop3A_347 = tpu.vector_load_idx %arg7[%parallel_loop3A_341] : memref<50176xf32, #tpu.memory_space<vmem>>[vector<16xi32>], vector<16xf32>,
          %parallel_loop3A_348 = tpu.vector_load_idx %arg7[%parallel_loop3A_344] : memref<50176xf32, #tpu.memory_space<vmem>>[vector<16xi32>], vector<16xf32>,
          %parallel_loop3A_349 = arith.mulf %parallel_loop3A_345, %parallel_loop3A_332 : vector<16xf32>
          %parallel_loop3A_350 = arith.mulf %parallel_loop3A_346, %parallel_loop3A_325 : vector<16xf32>
          %parallel_loop3A_351 = arith.addf %parallel_loop3A_349, %parallel_loop3A_350 : vector<16xf32>
          %parallel_loop3A_352 = arith.mulf %parallel_loop3A_347, %parallel_loop3A_332 : vector<16xf32>
          %parallel_loop3A_353 = arith.mulf %parallel_loop3A_348, %parallel_loop3A_325 : vector<16xf32>
          %parallel_loop3A_354 = arith.addf %parallel_loop3A_352, %parallel_loop3A_353 : vector<16xf32>
          %parallel_loop3A_355 = arith.mulf %parallel_loop3A_351, %parallel_loop3A_335 : vector<16xf32>
          %parallel_loop3A_356 = arith.mulf %parallel_loop3A_354, %parallel_loop3A_329 : vector<16xf32>
          %parallel_loop3A_357 = arith.addf %parallel_loop3A_355, %parallel_loop3A_356 : vector<16xf32>
          %parallel_loop3A_358 = arith.constant 0 : i32
          %parallel_loop3A_359 = arith.index_cast %parallel_loop3A_358 : i32 to index
          %parallel_loop3A_360 = arith.index_cast %parallel_loop3A_317 : i32 to index
          %parallel_loop3A_361 = tpu.vector_load %arg12[%parallel_loop3A_359, %parallel_loop3A_360] {strides = array<i32>} : memref<2x1792xf32, #tpu.memory_space<vmem>>, vector<16xf32>,
          tpu.vector_store %arg12[%parallel_loop3A_359, %parallel_loop3A_360], %parallel_loop3A_357 {strides = array<i32>} : memref<2x1792xf32, #tpu.memory_space<vmem>>, vector<16xf32>,
          %parallel_loop3A_362 = tpu.vector_load_idx %arg8[%parallel_loop3A_321] : memref<50176xf32, #tpu.memory_space<vmem>>[vector<16xi32>], vector<16xf32>,
          %parallel_loop3A_363 = tpu.vector_load_idx %arg8[%parallel_loop3A_338] : memref<50176xf32, #tpu.memory_space<vmem>>[vector<16xi32>], vector<16xf32>,
          %parallel_loop3A_364 = tpu.vector_load_idx %arg8[%parallel_loop3A_341] : memref<50176xf32, #tpu.memory_space<vmem>>[vector<16xi32>], vector<16xf32>,
          %parallel_loop3A_365 = tpu.vector_load_idx %arg8[%parallel_loop3A_344] : memref<50176xf32, #tpu.memory_space<vmem>>[vector<16xi32>], vector<16xf32>,
          %parallel_loop3A_366 = arith.mulf %parallel_loop3A_362, %parallel_loop3A_332 : vector<16xf32>
          %parallel_loop3A_367 = arith.mulf %parallel_loop3A_363, %parallel_loop3A_325 : vector<16xf32>
          %parallel_loop3A_368 = arith.addf %parallel_loop3A_366, %parallel_loop3A_367 : vector<16xf32>
          %parallel_loop3A_369 = arith.mulf %parallel_loop3A_364, %parallel_loop3A_332 : vector<16xf32>
          %parallel_loop3A_370 = arith.mulf %parallel_loop3A_365, %parallel_loop3A_325 : vector<16xf32>
          %parallel_loop3A_371 = arith.addf %parallel_loop3A_369, %parallel_loop3A_370 : vector<16xf32>
          %parallel_loop3A_372 = arith.mulf %parallel_loop3A_368, %parallel_loop3A_335 : vector<16xf32>
          %parallel_loop3A_373 = arith.mulf %parallel_loop3A_371, %parallel_loop3A_329 : vector<16xf32>
          %parallel_loop3A_374 = arith.addf %parallel_loop3A_372, %parallel_loop3A_373 : vector<16xf32>
          %parallel_loop3A_375 = arith.constant 0 : i32
          %parallel_loop3A_376 = arith.index_cast %parallel_loop3A_375 : i32 to index
          %parallel_loop3A_377 = arith.index_cast %parallel_loop3A_317 : i32 to index
          %parallel_loop3A_378 = tpu.vector_load %arg13[%parallel_loop3A_376, %parallel_loop3A_377] {strides = array<i32>} : memref<2x1792xf32, #tpu.memory_space<vmem>>, vector<16xf32>,
          tpu.vector_store %arg13[%parallel_loop3A_376, %parallel_loop3A_377], %parallel_loop3A_374 {strides = array<i32>} : memref<2x1792xf32, #tpu.memory_space<vmem>>, vector<16xf32>,
        } {sc.loop_unroll_factor = 4 : i64, sc.parallel_access}
        %mul3A_215 = arith.constant 50176 : i32
        %mul3A_216 = arith.muli %add3A_88, %mul3A_215 : i32
        %mul3A_217 = arith.constant 1792 : i32
        %mul3A_218 = arith.muli %mul3A_145, %mul3A_217 : i32
        %add3A_219 = arith.addi %mul3A_216, %mul3A_218 : i32
        %dma_start3A_220 = arith.constant 0 : i32
        %dma_start3A_221 = arith.constant 0 : i32
        %dma_start3A_222 = tpu.memref_slice %arg12[%dma_start3A_220, %dma_start3A_221] : memref<2x1792xf32, #tpu.memory_space<vmem>> -> memref<1x1792xf32, #tpu.memory_space<vmem>>
        %dma_start3A_223 = tpu.memref_squeeze %dma_start3A_222 : memref<1x1792xf32, #tpu.memory_space<vmem>> -> memref<1792xf32, #tpu.memory_space<vmem>>
        %dma_start3A_224 = tpu.memref_slice %arg6[%add3A_219] : memref<19267584xf32, #tpu.memory_space<hbm>> -> memref<1792xf32, #tpu.memory_space<hbm>>
        %dma_start3A_225 = tpu.memref_slice %arg6[%add3A_219] : memref<19267584xf32, #tpu.memory_space<hbm>> -> memref<1792xf32, #tpu.memory_space<hbm>>
        %dma_start3A_226 = arith.constant 0 : i32
        %dma_start3A_227 = tpu.memref_slice %arg12[%dma_start3A_220, %dma_start3A_226] : memref<2x1792xf32, #tpu.memory_space<vmem>> -> memref<1x1792xf32, #tpu.memory_space<vmem>>
        %dma_start3A_228 = tpu.memref_squeeze %dma_start3A_227 : memref<1x1792xf32, #tpu.memory_space<vmem>> -> memref<1792xf32, #tpu.memory_space<vmem>>
        tpu.enqueue_dma source(%dma_start3A_228 : memref<1792xf32, #tpu.memory_space<vmem>>) target(%dma_start3A_225 : memref<1792xf32, #tpu.memory_space<hbm>>) target_semaphore(%arg17 : memref<!tpu.dma_semaphore, #tpu.memory_space<semaphore_mem>>)
        %mul3A_229 = arith.constant 50176 : i32
        %mul3A_230 = arith.muli %add3A_90, %mul3A_229 : i32
        %mul3A_231 = arith.constant 1792 : i32
        %mul3A_232 = arith.muli %mul3A_145, %mul3A_231 : i32
        %add3A_233 = arith.addi %mul3A_230, %mul3A_232 : i32
        %dma_start3A_234 = arith.constant 0 : i32
        %dma_start3A_235 = arith.constant 0 : i32
        %dma_start3A_236 = tpu.memref_slice %arg13[%dma_start3A_234, %dma_start3A_235] : memref<2x1792xf32, #tpu.memory_space<vmem>> -> memref<1x1792xf32, #tpu.memory_space<vmem>>
        %dma_start3A_237 = tpu.memref_squeeze %dma_start3A_236 : memref<1x1792xf32, #tpu.memory_space<vmem>> -> memref<1792xf32, #tpu.memory_space<vmem>>
        %dma_start3A_238 = tpu.memref_slice %arg6[%add3A_233] : memref<19267584xf32, #tpu.memory_space<hbm>> -> memref<1792xf32, #tpu.memory_space<hbm>>
        %dma_start3A_239 = tpu.memref_slice %arg6[%add3A_233] : memref<19267584xf32, #tpu.memory_space<hbm>> -> memref<1792xf32, #tpu.memory_space<hbm>>
        %dma_start3A_240 = arith.constant 0 : i32
        %dma_start3A_241 = tpu.memref_slice %arg13[%dma_start3A_234, %dma_start3A_240] : memref<2x1792xf32, #tpu.memory_space<vmem>> -> memref<1x1792xf32, #tpu.memory_space<vmem>>
        %dma_start3A_242 = tpu.memref_squeeze %dma_start3A_241 : memref<1x1792xf32, #tpu.memory_space<vmem>> -> memref<1792xf32, #tpu.memory_space<vmem>>
        tpu.enqueue_dma source(%dma_start3A_242 : memref<1792xf32, #tpu.memory_space<vmem>>) target(%dma_start3A_239 : memref<1792xf32, #tpu.memory_space<hbm>>) target_semaphore(%arg17 : memref<!tpu.dma_semaphore, #tpu.memory_space<semaphore_mem>>)
        %add3A_243 = arith.constant 1 : i32
        %add3A_244 = arith.addi %add3A_147, %add3A_243 : i32
        %lt3A = arith.constant 28 : i32
        %lt3A_245 = arith.cmpi slt, %add3A_244, %lt3A : i32
        %convert_element_type3A_246 = arith.extui %lt3A_245 : i1 to i32
        %cond3A_247 = arith.constant 0 : i32
        %cond3A_248 = arith.cmpi ne, %convert_element_type3A_246, %cond3A_247 : i32
        scf.if %cond3A_248 {
          %add3A_315 = arith.constant 1 : i32
          %add3A_316 = arith.addi %add3A_147, %add3A_315 : i32
          %mul3A_317 = arith.constant 1792 : i32
          %mul3A_318 = arith.muli %add3A_316, %mul3A_317 : i32
          %add3A_319 = arith.addi %mul3A_18, %mul3A_318 : i32
          %dma_start3A_320 = arith.constant 0 : i32
          %dma_start3A_321 = arith.constant 0 : i32
          %dma_start3A_322 = tpu.memref_slice %arg9[%dma_start3A_320, %dma_start3A_321] : memref<2x1792xi32, #tpu.memory_space<vmem>> -> memref<1x1792xi32, #tpu.memory_space<vmem>>
          %dma_start3A_323 = tpu.memref_squeeze %dma_start3A_322 : memref<1x1792xi32, #tpu.memory_space<vmem>> -> memref<1792xi32, #tpu.memory_space<vmem>>
          %dma_start3A_324 = tpu.memref_slice %arg3[%add3A_319] : memref<200704xi32, #tpu.memory_space<hbm>> -> memref<1792xi32, #tpu.memory_space<hbm>>
          %dma_start3A_325 = arith.constant 0 : i32
          %dma_start3A_326 = tpu.memref_slice %arg9[%dma_start3A_320, %dma_start3A_325] : memref<2x1792xi32, #tpu.memory_space<vmem>> -> memref<1x1792xi32, #tpu.memory_space<vmem>>
          %dma_start3A_327 = tpu.memref_squeeze %dma_start3A_326 : memref<1x1792xi32, #tpu.memory_space<vmem>> -> memref<1792xi32, #tpu.memory_space<vmem>>
          %dma_start3A_328 = tpu.memref_slice %arg3[%add3A_319] : memref<200704xi32, #tpu.memory_space<hbm>> -> memref<1792xi32, #tpu.memory_space<hbm>>
          tpu.enqueue_dma source(%dma_start3A_328 : memref<1792xi32, #tpu.memory_space<hbm>>) target(%dma_start3A_327 : memref<1792xi32, #tpu.memory_space<vmem>>) target_semaphore(%arg15 : memref<!tpu.dma_semaphore, #tpu.memory_space<semaphore_mem>>)
          %dma_start3A_329 = arith.constant 0 : i32
          %dma_start3A_330 = arith.constant 0 : i32
          %dma_start3A_331 = tpu.memref_slice %arg10[%dma_start3A_329, %dma_start3A_330] : memref<2x1792xf32, #tpu.memory_space<vmem>> -> memref<1x1792xf32, #tpu.memory_space<vmem>>
          %dma_start3A_332 = tpu.memref_squeeze %dma_start3A_331 : memref<1x1792xf32, #tpu.memory_space<vmem>> -> memref<1792xf32, #tpu.memory_space<vmem>>
          %dma_start3A_333 = tpu.memref_slice %arg4[%add3A_319] : memref<200704xf32, #tpu.memory_space<hbm>> -> memref<1792xf32, #tpu.memory_space<hbm>>
          %dma_start3A_334 = arith.constant 0 : i32
          %dma_start3A_335 = tpu.memref_slice %arg10[%dma_start3A_329, %dma_start3A_334] : memref<2x1792xf32, #tpu.memory_space<vmem>> -> memref<1x1792xf32, #tpu.memory_space<vmem>>
          %dma_start3A_336 = tpu.memref_squeeze %dma_start3A_335 : memref<1x1792xf32, #tpu.memory_space<vmem>> -> memref<1792xf32, #tpu.memory_space<vmem>>
          %dma_start3A_337 = tpu.memref_slice %arg4[%add3A_319] : memref<200704xf32, #tpu.memory_space<hbm>> -> memref<1792xf32, #tpu.memory_space<hbm>>
          tpu.enqueue_dma source(%dma_start3A_337 : memref<1792xf32, #tpu.memory_space<hbm>>) target(%dma_start3A_336 : memref<1792xf32, #tpu.memory_space<vmem>>) target_semaphore(%arg15 : memref<!tpu.dma_semaphore, #tpu.memory_space<semaphore_mem>>)
          %dma_start3A_338 = arith.constant 0 : i32
          %dma_start3A_339 = arith.constant 0 : i32
          %dma_start3A_340 = tpu.memref_slice %arg11[%dma_start3A_338, %dma_start3A_339] : memref<2x1792xf32, #tpu.memory_space<vmem>> -> memref<1x1792xf32, #tpu.memory_space<vmem>>
          %dma_start3A_341 = tpu.memref_squeeze %dma_start3A_340 : memref<1x1792xf32, #tpu.memory_space<vmem>> -> memref<1792xf32, #tpu.memory_space<vmem>>
          %dma_start3A_342 = tpu.memref_slice %arg5[%add3A_319] : memref<200704xf32, #tpu.memory_space<hbm>> -> memref<1792xf32, #tpu.memory_space<hbm>>
          %dma_start3A_343 = arith.constant 0 : i32
          %dma_start3A_344 = tpu.memref_slice %arg11[%dma_start3A_338, %dma_start3A_343] : memref<2x1792xf32, #tpu.memory_space<vmem>> -> memref<1x1792xf32, #tpu.memory_space<vmem>>
          %dma_start3A_345 = tpu.memref_squeeze %dma_start3A_344 : memref<1x1792xf32, #tpu.memory_space<vmem>> -> memref<1792xf32, #tpu.memory_space<vmem>>
          %dma_start3A_346 = tpu.memref_slice %arg5[%add3A_319] : memref<200704xf32, #tpu.memory_space<hbm>> -> memref<1792xf32, #tpu.memory_space<hbm>>
          tpu.enqueue_dma source(%dma_start3A_346 : memref<1792xf32, #tpu.memory_space<hbm>>) target(%dma_start3A_345 : memref<1792xf32, #tpu.memory_space<vmem>>) target_semaphore(%arg15 : memref<!tpu.dma_semaphore, #tpu.memory_space<semaphore_mem>>)
        } else {
        }
        %mul3A_249 = arith.constant 1792 : i32
        %mul3A_250 = arith.muli %add3A_147, %mul3A_249 : i32
        %add3A_251 = arith.addi %mul3A_18, %mul3A_250 : i32
        %dma_wait3A_252 = arith.constant 1 : i32
        %dma_wait3A_253 = arith.constant 0 : i32
        %dma_wait3A_254 = tpu.memref_slice %arg9[%dma_wait3A_252, %dma_wait3A_253] : memref<2x1792xi32, #tpu.memory_space<vmem>> -> memref<1x1792xi32, #tpu.memory_space<vmem>>
        %dma_wait3A_255 = tpu.memref_squeeze %dma_wait3A_254 : memref<1x1792xi32, #tpu.memory_space<vmem>> -> memref<1792xi32, #tpu.memory_space<vmem>>
        %dma_wait3A_256 = tpu.memref_slice %arg3[%add3A_251] : memref<200704xi32, #tpu.memory_space<hbm>> -> memref<1792xi32, #tpu.memory_space<hbm>>
        %dma_wait3A_257 = arith.constant 0 : i32
        %dma_wait3A_258 = tpu.memref_slice %arg9[%dma_wait3A_252, %dma_wait3A_257] : memref<2x1792xi32, #tpu.memory_space<vmem>> -> memref<1x1792xi32, #tpu.memory_space<vmem>>
        %dma_wait3A_259 = tpu.memref_squeeze %dma_wait3A_258 : memref<1x1792xi32, #tpu.memory_space<vmem>> -> memref<1792xi32, #tpu.memory_space<vmem>>
        %dma_wait3A_260 = tpu.memref_slice %arg3[%add3A_251] : memref<200704xi32, #tpu.memory_space<hbm>> -> memref<1792xi32, #tpu.memory_space<hbm>>
        tpu.wait_dma2 semaphore(%arg16 : memref<!tpu.dma_semaphore, #tpu.memory_space<semaphore_mem>>) src(%dma_wait3A_260 : memref<1792xi32, #tpu.memory_space<hbm>>) dst(%dma_wait3A_259 : memref<1792xi32, #tpu.memory_space<vmem>>)
        %dma_wait3A_261 = arith.constant 1 : i32
        %dma_wait3A_262 = arith.constant 0 : i32
        %dma_wait3A_263 = tpu.memref_slice %arg10[%dma_wait3A_261, %dma_wait3A_262] : memref<2x1792xf32, #tpu.memory_space<vmem>> -> memref<1x1792xf32, #tpu.memory_space<vmem>>
        %dma_wait3A_264 = tpu.memref_squeeze %dma_wait3A_263 : memref<1x1792xf32, #tpu.memory_space<vmem>> -> memref<1792xf32, #tpu.memory_space<vmem>>
        %dma_wait3A_265 = tpu.memref_slice %arg4[%add3A_251] : memref<200704xf32, #tpu.memory_space<hbm>> -> memref<1792xf32, #tpu.memory_space<hbm>>
        %dma_wait3A_266 = arith.constant 0 : i32
        %dma_wait3A_267 = tpu.memref_slice %arg10[%dma_wait3A_261, %dma_wait3A_266] : memref<2x1792xf32, #tpu.memory_space<vmem>> -> memref<1x1792xf32, #tpu.memory_space<vmem>>
        %dma_wait3A_268 = tpu.memref_squeeze %dma_wait3A_267 : memref<1x1792xf32, #tpu.memory_space<vmem>> -> memref<1792xf32, #tpu.memory_space<vmem>>
        %dma_wait3A_269 = tpu.memref_slice %arg4[%add3A_251] : memref<200704xf32, #tpu.memory_space<hbm>> -> memref<1792xf32, #tpu.memory_space<hbm>>
        tpu.wait_dma2 semaphore(%arg16 : memref<!tpu.dma_semaphore, #tpu.memory_space<semaphore_mem>>) src(%dma_wait3A_269 : memref<1792xf32, #tpu.memory_space<hbm>>) dst(%dma_wait3A_268 : memref<1792xf32, #tpu.memory_space<vmem>>)
        %dma_wait3A_270 = arith.constant 1 : i32
        %dma_wait3A_271 = arith.constant 0 : i32
        %dma_wait3A_272 = tpu.memref_slice %arg11[%dma_wait3A_270, %dma_wait3A_271] : memref<2x1792xf32, #tpu.memory_space<vmem>> -> memref<1x1792xf32, #tpu.memory_space<vmem>>
        %dma_wait3A_273 = tpu.memref_squeeze %dma_wait3A_272 : memref<1x1792xf32, #tpu.memory_space<vmem>> -> memref<1792xf32, #tpu.memory_space<vmem>>
        %dma_wait3A_274 = tpu.memref_slice %arg5[%add3A_251] : memref<200704xf32, #tpu.memory_space<hbm>> -> memref<1792xf32, #tpu.memory_space<hbm>>
        %dma_wait3A_275 = arith.constant 0 : i32
        %dma_wait3A_276 = tpu.memref_slice %arg11[%dma_wait3A_270, %dma_wait3A_275] : memref<2x1792xf32, #tpu.memory_space<vmem>> -> memref<1x1792xf32, #tpu.memory_space<vmem>>
        %dma_wait3A_277 = tpu.memref_squeeze %dma_wait3A_276 : memref<1x1792xf32, #tpu.memory_space<vmem>> -> memref<1792xf32, #tpu.memory_space<vmem>>
        %dma_wait3A_278 = tpu.memref_slice %arg5[%add3A_251] : memref<200704xf32, #tpu.memory_space<hbm>> -> memref<1792xf32, #tpu.memory_space<hbm>>
        tpu.wait_dma2 semaphore(%arg16 : memref<!tpu.dma_semaphore, #tpu.memory_space<semaphore_mem>>) src(%dma_wait3A_278 : memref<1792xf32, #tpu.memory_space<hbm>>) dst(%dma_wait3A_277 : memref<1792xf32, #tpu.memory_space<vmem>>)
        %gt3A_279 = arith.constant 0 : i32
        %gt3A_280 = arith.cmpi sgt, %scan3A_143, %gt3A_279 : i32
        %convert_element_type3A_281 = arith.extui %gt3A_280 : i1 to i32
        %cond3A_282 = arith.constant 0 : i32
        %cond3A_283 = arith.cmpi ne, %convert_element_type3A_281, %cond3A_282 : i32
        scf.if %cond3A_283 {
          %sub3A_315 = arith.constant 2 : i32
          %sub3A_316 = arith.subi %add3A_147, %sub3A_315 : i32
          %mul3A_317 = arith.constant 50176 : i32
          %mul3A_318 = arith.muli %add3A_88, %mul3A_317 : i32
          %mul3A_319 = arith.constant 1792 : i32
          %mul3A_320 = arith.muli %sub3A_316, %mul3A_319 : i32
          %add3A_321 = arith.addi %mul3A_318, %mul3A_320 : i32
          %dma_wait3A_322 = arith.constant 1 : i32
          %dma_wait3A_323 = arith.constant 0 : i32
          %dma_wait3A_324 = tpu.memref_slice %arg12[%dma_wait3A_322, %dma_wait3A_323] : memref<2x1792xf32, #tpu.memory_space<vmem>> -> memref<1x1792xf32, #tpu.memory_space<vmem>>
          %dma_wait3A_325 = tpu.memref_squeeze %dma_wait3A_324 : memref<1x1792xf32, #tpu.memory_space<vmem>> -> memref<1792xf32, #tpu.memory_space<vmem>>
          %dma_wait3A_326 = tpu.memref_slice %arg6[%add3A_321] : memref<19267584xf32, #tpu.memory_space<hbm>> -> memref<1792xf32, #tpu.memory_space<hbm>>
          %dma_wait3A_327 = tpu.memref_slice %arg6[%add3A_321] : memref<19267584xf32, #tpu.memory_space<hbm>> -> memref<1792xf32, #tpu.memory_space<hbm>>
          %dma_wait3A_328 = arith.constant 0 : i32
          %dma_wait3A_329 = tpu.memref_slice %arg12[%dma_wait3A_322, %dma_wait3A_328] : memref<2x1792xf32, #tpu.memory_space<vmem>> -> memref<1x1792xf32, #tpu.memory_space<vmem>>
          %dma_wait3A_330 = tpu.memref_squeeze %dma_wait3A_329 : memref<1x1792xf32, #tpu.memory_space<vmem>> -> memref<1792xf32, #tpu.memory_space<vmem>>
          tpu.wait_dma2 semaphore(%arg18 : memref<!tpu.dma_semaphore, #tpu.memory_space<semaphore_mem>>) src(%dma_wait3A_330 : memref<1792xf32, #tpu.memory_space<vmem>>) dst(%dma_wait3A_327 : memref<1792xf32, #tpu.memory_space<hbm>>)
          %mul3A_331 = arith.constant 50176 : i32
          %mul3A_332 = arith.muli %add3A_90, %mul3A_331 : i32
          %mul3A_333 = arith.constant 1792 : i32
          %mul3A_334 = arith.muli %sub3A_316, %mul3A_333 : i32
          %add3A_335 = arith.addi %mul3A_332, %mul3A_334 : i32
          %dma_wait3A_336 = arith.constant 1 : i32
          %dma_wait3A_337 = arith.constant 0 : i32
          %dma_wait3A_338 = tpu.memref_slice %arg13[%dma_wait3A_336, %dma_wait3A_337] : memref<2x1792xf32, #tpu.memory_space<vmem>> -> memref<1x1792xf32, #tpu.memory_space<vmem>>
          %dma_wait3A_339 = tpu.memref_squeeze %dma_wait3A_338 : memref<1x1792xf32, #tpu.memory_space<vmem>> -> memref<1792xf32, #tpu.memory_space<vmem>>
          %dma_wait3A_340 = tpu.memref_slice %arg6[%add3A_335] : memref<19267584xf32, #tpu.memory_space<hbm>> -> memref<1792xf32, #tpu.memory_space<hbm>>
          %dma_wait3A_341 = tpu.memref_slice %arg6[%add3A_335] : memref<19267584xf32, #tpu.memory_space<hbm>> -> memref<1792xf32, #tpu.memory_space<hbm>>
          %dma_wait3A_342 = arith.constant 0 : i32
          %dma_wait3A_343 = tpu.memref_slice %arg13[%dma_wait3A_336, %dma_wait3A_342] : memref<2x1792xf32, #tpu.memory_space<vmem>> -> memref<1x1792xf32, #tpu.memory_space<vmem>>
          %dma_wait3A_344 = tpu.memref_squeeze %dma_wait3A_343 : memref<1x1792xf32, #tpu.memory_space<vmem>> -> memref<1792xf32, #tpu.memory_space<vmem>>
          tpu.wait_dma2 semaphore(%arg18 : memref<!tpu.dma_semaphore, #tpu.memory_space<semaphore_mem>>) src(%dma_wait3A_344 : memref<1792xf32, #tpu.memory_space<vmem>>) dst(%dma_wait3A_341 : memref<1792xf32, #tpu.memory_space<hbm>>)
        } else {
        }
        %parallel_loop3A_284 = arith.constant 0 : i32
        %parallel_loop3A_285 = arith.constant 112 : i32
        %parallel_loop3A_286 = arith.constant 1 : i32
        scf.for %parallel_loop3A_315 = %parallel_loop3A_284 to %parallel_loop3A_285 step %parallel_loop3A_286  : i32 {
          %parallel_loop3A_316 = arith.constant 16 : i32
          %parallel_loop3A_317 = arith.muli %parallel_loop3A_315, %parallel_loop3A_316 : i32
          %parallel_loop3A_318 = arith.constant 1 : i32
          %parallel_loop3A_319 = arith.index_cast %parallel_loop3A_318 : i32 to index
          %parallel_loop3A_320 = arith.index_cast %parallel_loop3A_317 : i32 to index
          %parallel_loop3A_321 = tpu.vector_load %arg9[%parallel_loop3A_319, %parallel_loop3A_320] {strides = array<i32>} : memref<2x1792xi32, #tpu.memory_space<vmem>>, vector<16xi32>,
          %parallel_loop3A_322 = arith.constant 1 : i32
          %parallel_loop3A_323 = arith.index_cast %parallel_loop3A_322 : i32 to index
          %parallel_loop3A_324 = arith.index_cast %parallel_loop3A_317 : i32 to index
          %parallel_loop3A_325 = tpu.vector_load %arg10[%parallel_loop3A_323, %parallel_loop3A_324] {strides = array<i32>} : memref<2x1792xf32, #tpu.memory_space<vmem>>, vector<16xf32>,
          %parallel_loop3A_326 = arith.constant 1 : i32
          %parallel_loop3A_327 = arith.index_cast %parallel_loop3A_326 : i32 to index
          %parallel_loop3A_328 = arith.index_cast %parallel_loop3A_317 : i32 to index
          %parallel_loop3A_329 = tpu.vector_load %arg11[%parallel_loop3A_327, %parallel_loop3A_328] {strides = array<i32>} : memref<2x1792xf32, #tpu.memory_space<vmem>>, vector<16xf32>,
          %parallel_loop3A_330 = arith.constant 1.000000e+00 : f32
          %parallel_loop3A_331 = vector.broadcast %parallel_loop3A_330 : f32 to vector<16xf32>
          %parallel_loop3A_332 = arith.subf %parallel_loop3A_331, %parallel_loop3A_325 : vector<16xf32>
          %parallel_loop3A_333 = arith.constant 1.000000e+00 : f32
          %parallel_loop3A_334 = vector.broadcast %parallel_loop3A_333 : f32 to vector<16xf32>
          %parallel_loop3A_335 = arith.subf %parallel_loop3A_334, %parallel_loop3A_329 : vector<16xf32>
          %parallel_loop3A_336 = arith.constant 1 : i32
          %parallel_loop3A_337 = vector.broadcast %parallel_loop3A_336 : i32 to vector<16xi32>
          %parallel_loop3A_338 = arith.addi %parallel_loop3A_321, %parallel_loop3A_337 : vector<16xi32>
          %parallel_loop3A_339 = arith.constant 224 : i32
          %parallel_loop3A_340 = vector.broadcast %parallel_loop3A_339 : i32 to vector<16xi32>
          %parallel_loop3A_341 = arith.addi %parallel_loop3A_321, %parallel_loop3A_340 : vector<16xi32>
          %parallel_loop3A_342 = arith.constant 225 : i32
          %parallel_loop3A_343 = vector.broadcast %parallel_loop3A_342 : i32 to vector<16xi32>
          %parallel_loop3A_344 = arith.addi %parallel_loop3A_321, %parallel_loop3A_343 : vector<16xi32>
          %parallel_loop3A_345 = tpu.vector_load_idx %arg7[%parallel_loop3A_321] : memref<50176xf32, #tpu.memory_space<vmem>>[vector<16xi32>], vector<16xf32>,
          %parallel_loop3A_346 = tpu.vector_load_idx %arg7[%parallel_loop3A_338] : memref<50176xf32, #tpu.memory_space<vmem>>[vector<16xi32>], vector<16xf32>,
          %parallel_loop3A_347 = tpu.vector_load_idx %arg7[%parallel_loop3A_341] : memref<50176xf32, #tpu.memory_space<vmem>>[vector<16xi32>], vector<16xf32>,
          %parallel_loop3A_348 = tpu.vector_load_idx %arg7[%parallel_loop3A_344] : memref<50176xf32, #tpu.memory_space<vmem>>[vector<16xi32>], vector<16xf32>,
          %parallel_loop3A_349 = arith.mulf %parallel_loop3A_345, %parallel_loop3A_332 : vector<16xf32>
          %parallel_loop3A_350 = arith.mulf %parallel_loop3A_346, %parallel_loop3A_325 : vector<16xf32>
          %parallel_loop3A_351 = arith.addf %parallel_loop3A_349, %parallel_loop3A_350 : vector<16xf32>
          %parallel_loop3A_352 = arith.mulf %parallel_loop3A_347, %parallel_loop3A_332 : vector<16xf32>
          %parallel_loop3A_353 = arith.mulf %parallel_loop3A_348, %parallel_loop3A_325 : vector<16xf32>
          %parallel_loop3A_354 = arith.addf %parallel_loop3A_352, %parallel_loop3A_353 : vector<16xf32>
          %parallel_loop3A_355 = arith.mulf %parallel_loop3A_351, %parallel_loop3A_335 : vector<16xf32>
          %parallel_loop3A_356 = arith.mulf %parallel_loop3A_354, %parallel_loop3A_329 : vector<16xf32>
          %parallel_loop3A_357 = arith.addf %parallel_loop3A_355, %parallel_loop3A_356 : vector<16xf32>
          %parallel_loop3A_358 = arith.constant 1 : i32
          %parallel_loop3A_359 = arith.index_cast %parallel_loop3A_358 : i32 to index
          %parallel_loop3A_360 = arith.index_cast %parallel_loop3A_317 : i32 to index
          %parallel_loop3A_361 = tpu.vector_load %arg12[%parallel_loop3A_359, %parallel_loop3A_360] {strides = array<i32>} : memref<2x1792xf32, #tpu.memory_space<vmem>>, vector<16xf32>,
          tpu.vector_store %arg12[%parallel_loop3A_359, %parallel_loop3A_360], %parallel_loop3A_357 {strides = array<i32>} : memref<2x1792xf32, #tpu.memory_space<vmem>>, vector<16xf32>,
          %parallel_loop3A_362 = tpu.vector_load_idx %arg8[%parallel_loop3A_321] : memref<50176xf32, #tpu.memory_space<vmem>>[vector<16xi32>], vector<16xf32>,
          %parallel_loop3A_363 = tpu.vector_load_idx %arg8[%parallel_loop3A_338] : memref<50176xf32, #tpu.memory_space<vmem>>[vector<16xi32>], vector<16xf32>,
          %parallel_loop3A_364 = tpu.vector_load_idx %arg8[%parallel_loop3A_341] : memref<50176xf32, #tpu.memory_space<vmem>>[vector<16xi32>], vector<16xf32>,
          %parallel_loop3A_365 = tpu.vector_load_idx %arg8[%parallel_loop3A_344] : memref<50176xf32, #tpu.memory_space<vmem>>[vector<16xi32>], vector<16xf32>,
          %parallel_loop3A_366 = arith.mulf %parallel_loop3A_362, %parallel_loop3A_332 : vector<16xf32>
          %parallel_loop3A_367 = arith.mulf %parallel_loop3A_363, %parallel_loop3A_325 : vector<16xf32>
          %parallel_loop3A_368 = arith.addf %parallel_loop3A_366, %parallel_loop3A_367 : vector<16xf32>
          %parallel_loop3A_369 = arith.mulf %parallel_loop3A_364, %parallel_loop3A_332 : vector<16xf32>
          %parallel_loop3A_370 = arith.mulf %parallel_loop3A_365, %parallel_loop3A_325 : vector<16xf32>
          %parallel_loop3A_371 = arith.addf %parallel_loop3A_369, %parallel_loop3A_370 : vector<16xf32>
          %parallel_loop3A_372 = arith.mulf %parallel_loop3A_368, %parallel_loop3A_335 : vector<16xf32>
          %parallel_loop3A_373 = arith.mulf %parallel_loop3A_371, %parallel_loop3A_329 : vector<16xf32>
          %parallel_loop3A_374 = arith.addf %parallel_loop3A_372, %parallel_loop3A_373 : vector<16xf32>
          %parallel_loop3A_375 = arith.constant 1 : i32
          %parallel_loop3A_376 = arith.index_cast %parallel_loop3A_375 : i32 to index
          %parallel_loop3A_377 = arith.index_cast %parallel_loop3A_317 : i32 to index
          %parallel_loop3A_378 = tpu.vector_load %arg13[%parallel_loop3A_376, %parallel_loop3A_377] {strides = array<i32>} : memref<2x1792xf32, #tpu.memory_space<vmem>>, vector<16xf32>,
          tpu.vector_store %arg13[%parallel_loop3A_376, %parallel_loop3A_377], %parallel_loop3A_374 {strides = array<i32>} : memref<2x1792xf32, #tpu.memory_space<vmem>>, vector<16xf32>,
        } {sc.loop_unroll_factor = 4 : i64, sc.parallel_access}
        %mul3A_287 = arith.constant 50176 : i32
        %mul3A_288 = arith.muli %add3A_88, %mul3A_287 : i32
        %mul3A_289 = arith.constant 1792 : i32
        %mul3A_290 = arith.muli %add3A_147, %mul3A_289 : i32
        %add3A_291 = arith.addi %mul3A_288, %mul3A_290 : i32
        %dma_start3A_292 = arith.constant 1 : i32
        %dma_start3A_293 = arith.constant 0 : i32
        %dma_start3A_294 = tpu.memref_slice %arg12[%dma_start3A_292, %dma_start3A_293] : memref<2x1792xf32, #tpu.memory_space<vmem>> -> memref<1x1792xf32, #tpu.memory_space<vmem>>
        %dma_start3A_295 = tpu.memref_squeeze %dma_start3A_294 : memref<1x1792xf32, #tpu.memory_space<vmem>> -> memref<1792xf32, #tpu.memory_space<vmem>>
        %dma_start3A_296 = tpu.memref_slice %arg6[%add3A_291] : memref<19267584xf32, #tpu.memory_space<hbm>> -> memref<1792xf32, #tpu.memory_space<hbm>>
        %dma_start3A_297 = tpu.memref_slice %arg6[%add3A_291] : memref<19267584xf32, #tpu.memory_space<hbm>> -> memref<1792xf32, #tpu.memory_space<hbm>>
        %dma_start3A_298 = arith.constant 0 : i32
        %dma_start3A_299 = tpu.memref_slice %arg12[%dma_start3A_292, %dma_start3A_298] : memref<2x1792xf32, #tpu.memory_space<vmem>> -> memref<1x1792xf32, #tpu.memory_space<vmem>>
        %dma_start3A_300 = tpu.memref_squeeze %dma_start3A_299 : memref<1x1792xf32, #tpu.memory_space<vmem>> -> memref<1792xf32, #tpu.memory_space<vmem>>
        tpu.enqueue_dma source(%dma_start3A_300 : memref<1792xf32, #tpu.memory_space<vmem>>) target(%dma_start3A_297 : memref<1792xf32, #tpu.memory_space<hbm>>) target_semaphore(%arg18 : memref<!tpu.dma_semaphore, #tpu.memory_space<semaphore_mem>>)
        %mul3A_301 = arith.constant 50176 : i32
        %mul3A_302 = arith.muli %add3A_90, %mul3A_301 : i32
        %mul3A_303 = arith.constant 1792 : i32
        %mul3A_304 = arith.muli %add3A_147, %mul3A_303 : i32
        %add3A_305 = arith.addi %mul3A_302, %mul3A_304 : i32
        %dma_start3A_306 = arith.constant 1 : i32
        %dma_start3A_307 = arith.constant 0 : i32
        %dma_start3A_308 = tpu.memref_slice %arg13[%dma_start3A_306, %dma_start3A_307] : memref<2x1792xf32, #tpu.memory_space<vmem>> -> memref<1x1792xf32, #tpu.memory_space<vmem>>
        %dma_start3A_309 = tpu.memref_squeeze %dma_start3A_308 : memref<1x1792xf32, #tpu.memory_space<vmem>> -> memref<1792xf32, #tpu.memory_space<vmem>>
        %dma_start3A_310 = tpu.memref_slice %arg6[%add3A_305] : memref<19267584xf32, #tpu.memory_space<hbm>> -> memref<1792xf32, #tpu.memory_space<hbm>>
        %dma_start3A_311 = tpu.memref_slice %arg6[%add3A_305] : memref<19267584xf32, #tpu.memory_space<hbm>> -> memref<1792xf32, #tpu.memory_space<hbm>>
        %dma_start3A_312 = arith.constant 0 : i32
        %dma_start3A_313 = tpu.memref_slice %arg13[%dma_start3A_306, %dma_start3A_312] : memref<2x1792xf32, #tpu.memory_space<vmem>> -> memref<1x1792xf32, #tpu.memory_space<vmem>>
        %dma_start3A_314 = tpu.memref_squeeze %dma_start3A_313 : memref<1x1792xf32, #tpu.memory_space<vmem>> -> memref<1792xf32, #tpu.memory_space<vmem>>
        tpu.enqueue_dma source(%dma_start3A_314 : memref<1792xf32, #tpu.memory_space<vmem>>) target(%dma_start3A_311 : memref<1792xf32, #tpu.memory_space<hbm>>) target_semaphore(%arg18 : memref<!tpu.dma_semaphore, #tpu.memory_space<semaphore_mem>>)
      }
      %scan3A_142 = arith.constant 14 : i32
    }
    %scan3A_23 = arith.constant 6 : i32
    %mul3A_24 = arith.constant 12 : i32
    %mul3A_25 = arith.muli %add3A, %mul3A_24 : i32
    %add3A_26 = arith.constant 12 : i32
    %add3A_27 = arith.addi %mul3A_25, %add3A_26 : i32
    %sub3A_28 = arith.constant 2 : i32
    %sub3A_29 = arith.subi %add3A_27, %sub3A_28 : i32
    %add3A_30 = arith.constant 1 : i32
    %add3A_31 = arith.addi %sub3A_29, %add3A_30 : i32
    %mul3A_32 = arith.constant 50176 : i32
    %mul3A_33 = arith.muli %sub3A_29, %mul3A_32 : i32
    %add3A_34 = arith.constant 46592 : i32
    %add3A_35 = arith.addi %mul3A_33, %add3A_34 : i32
    %dma_wait3A = arith.constant 0 : i32
    %dma_wait3A_36 = arith.constant 0 : i32
    %dma_wait3A_37 = tpu.memref_slice %arg12[%dma_wait3A, %dma_wait3A_36] : memref<2x1792xf32, #tpu.memory_space<vmem>> -> memref<1x1792xf32, #tpu.memory_space<vmem>>
    %dma_wait3A_38 = tpu.memref_squeeze %dma_wait3A_37 : memref<1x1792xf32, #tpu.memory_space<vmem>> -> memref<1792xf32, #tpu.memory_space<vmem>>
    %dma_wait3A_39 = tpu.memref_slice %arg6[%add3A_35] : memref<19267584xf32, #tpu.memory_space<hbm>> -> memref<1792xf32, #tpu.memory_space<hbm>>
    %dma_wait3A_40 = tpu.memref_slice %arg6[%add3A_35] : memref<19267584xf32, #tpu.memory_space<hbm>> -> memref<1792xf32, #tpu.memory_space<hbm>>
    %dma_wait3A_41 = arith.constant 0 : i32
    %dma_wait3A_42 = tpu.memref_slice %arg12[%dma_wait3A, %dma_wait3A_41] : memref<2x1792xf32, #tpu.memory_space<vmem>> -> memref<1x1792xf32, #tpu.memory_space<vmem>>
    %dma_wait3A_43 = tpu.memref_squeeze %dma_wait3A_42 : memref<1x1792xf32, #tpu.memory_space<vmem>> -> memref<1792xf32, #tpu.memory_space<vmem>>
    tpu.wait_dma2 semaphore(%arg17 : memref<!tpu.dma_semaphore, #tpu.memory_space<semaphore_mem>>) src(%dma_wait3A_43 : memref<1792xf32, #tpu.memory_space<vmem>>) dst(%dma_wait3A_40 : memref<1792xf32, #tpu.memory_space<hbm>>)
    %mul3A_44 = arith.constant 50176 : i32
    %mul3A_45 = arith.muli %add3A_31, %mul3A_44 : i32
    %add3A_46 = arith.constant 46592 : i32
    %add3A_47 = arith.addi %mul3A_45, %add3A_46 : i32
    %dma_wait3A_48 = arith.constant 0 : i32
    %dma_wait3A_49 = arith.constant 0 : i32
    %dma_wait3A_50 = tpu.memref_slice %arg13[%dma_wait3A_48, %dma_wait3A_49] : memref<2x1792xf32, #tpu.memory_space<vmem>> -> memref<1x1792xf32, #tpu.memory_space<vmem>>
    %dma_wait3A_51 = tpu.memref_squeeze %dma_wait3A_50 : memref<1x1792xf32, #tpu.memory_space<vmem>> -> memref<1792xf32, #tpu.memory_space<vmem>>
    %dma_wait3A_52 = tpu.memref_slice %arg6[%add3A_47] : memref<19267584xf32, #tpu.memory_space<hbm>> -> memref<1792xf32, #tpu.memory_space<hbm>>
    %dma_wait3A_53 = tpu.memref_slice %arg6[%add3A_47] : memref<19267584xf32, #tpu.memory_space<hbm>> -> memref<1792xf32, #tpu.memory_space<hbm>>
    %dma_wait3A_54 = arith.constant 0 : i32
    %dma_wait3A_55 = tpu.memref_slice %arg13[%dma_wait3A_48, %dma_wait3A_54] : memref<2x1792xf32, #tpu.memory_space<vmem>> -> memref<1x1792xf32, #tpu.memory_space<vmem>>
    %dma_wait3A_56 = tpu.memref_squeeze %dma_wait3A_55 : memref<1x1792xf32, #tpu.memory_space<vmem>> -> memref<1792xf32, #tpu.memory_space<vmem>>
    tpu.wait_dma2 semaphore(%arg17 : memref<!tpu.dma_semaphore, #tpu.memory_space<semaphore_mem>>) src(%dma_wait3A_56 : memref<1792xf32, #tpu.memory_space<vmem>>) dst(%dma_wait3A_53 : memref<1792xf32, #tpu.memory_space<hbm>>)
    %mul3A_57 = arith.constant 50176 : i32
    %mul3A_58 = arith.muli %sub3A_29, %mul3A_57 : i32
    %add3A_59 = arith.constant 48384 : i32
    %add3A_60 = arith.addi %mul3A_58, %add3A_59 : i32
    %dma_wait3A_61 = arith.constant 1 : i32
    %dma_wait3A_62 = arith.constant 0 : i32
    %dma_wait3A_63 = tpu.memref_slice %arg12[%dma_wait3A_61, %dma_wait3A_62] : memref<2x1792xf32, #tpu.memory_space<vmem>> -> memref<1x1792xf32, #tpu.memory_space<vmem>>
    %dma_wait3A_64 = tpu.memref_squeeze %dma_wait3A_63 : memref<1x1792xf32, #tpu.memory_space<vmem>> -> memref<1792xf32, #tpu.memory_space<vmem>>
    %dma_wait3A_65 = tpu.memref_slice %arg6[%add3A_60] : memref<19267584xf32, #tpu.memory_space<hbm>> -> memref<1792xf32, #tpu.memory_space<hbm>>
    %dma_wait3A_66 = tpu.memref_slice %arg6[%add3A_60] : memref<19267584xf32, #tpu.memory_space<hbm>> -> memref<1792xf32, #tpu.memory_space<hbm>>
    %dma_wait3A_67 = arith.constant 0 : i32
    %dma_wait3A_68 = tpu.memref_slice %arg12[%dma_wait3A_61, %dma_wait3A_67] : memref<2x1792xf32, #tpu.memory_space<vmem>> -> memref<1x1792xf32, #tpu.memory_space<vmem>>
    %dma_wait3A_69 = tpu.memref_squeeze %dma_wait3A_68 : memref<1x1792xf32, #tpu.memory_space<vmem>> -> memref<1792xf32, #tpu.memory_space<vmem>>
    tpu.wait_dma2 semaphore(%arg18 : memref<!tpu.dma_semaphore, #tpu.memory_space<semaphore_mem>>) src(%dma_wait3A_69 : memref<1792xf32, #tpu.memory_space<vmem>>) dst(%dma_wait3A_66 : memref<1792xf32, #tpu.memory_space<hbm>>)
    %mul3A_70 = arith.constant 50176 : i32
    %mul3A_71 = arith.muli %add3A_31, %mul3A_70 : i32
    %add3A_72 = arith.constant 48384 : i32
    %add3A_73 = arith.addi %mul3A_71, %add3A_72 : i32
    %dma_wait3A_74 = arith.constant 1 : i32
    %dma_wait3A_75 = arith.constant 0 : i32
    %dma_wait3A_76 = tpu.memref_slice %arg13[%dma_wait3A_74, %dma_wait3A_75] : memref<2x1792xf32, #tpu.memory_space<vmem>> -> memref<1x1792xf32, #tpu.memory_space<vmem>>
    %dma_wait3A_77 = tpu.memref_squeeze %dma_wait3A_76 : memref<1x1792xf32, #tpu.memory_space<vmem>> -> memref<1792xf32, #tpu.memory_space<vmem>>
    %dma_wait3A_78 = tpu.memref_slice %arg6[%add3A_73] : memref<19267584xf32, #tpu.memory_space<hbm>> -> memref<1792xf32, #tpu.memory_space<hbm>>
    %dma_wait3A_79 = tpu.memref_slice %arg6[%add3A_73] : memref<19267584xf32, #tpu.memory_space<hbm>> -> memref<1792xf32, #tpu.memory_space<hbm>>
    %dma_wait3A_80 = arith.constant 0 : i32
    %dma_wait3A_81 = tpu.memref_slice %arg13[%dma_wait3A_74, %dma_wait3A_80] : memref<2x1792xf32, #tpu.memory_space<vmem>> -> memref<1x1792xf32, #tpu.memory_space<vmem>>
    %dma_wait3A_82 = tpu.memref_squeeze %dma_wait3A_81 : memref<1x1792xf32, #tpu.memory_space<vmem>> -> memref<1792xf32, #tpu.memory_space<vmem>>
    tpu.wait_dma2 semaphore(%arg18 : memref<!tpu.dma_semaphore, #tpu.memory_space<semaphore_mem>>) src(%dma_wait3A_82 : memref<1792xf32, #tpu.memory_space<vmem>>) dst(%dma_wait3A_79 : memref<1792xf32, #tpu.memory_space<hbm>>)
    return
  }
}

module attributes {stable_mosaic.version = 14 : i64} {
  func.func @body(%arg0: memref<4x392x128xf32, #tpu.memory_space<vmem>>, %arg1: memref<4x392x128xf32, #tpu.memory_space<vmem>>, %arg2: memref<4x392x128xi32, #tpu.memory_space<vmem>>, %arg3: memref<4x392x128xf32, #tpu.memory_space<vmem>>, %arg4: memref<4x392x128xf32, #tpu.memory_space<vmem>>) attributes {dimension_semantics = [], scalar_prefetch = 0 : i64, scratch_operands = 0 : i64, tpu.core_type = #tpu.core_type<tc>} {
    %get3A = arith.constant 0 : index
    %get3A_0 = arith.constant 0 : index
    %get3A_1 = arith.constant 0 : index
    %get3A_2 = vector.load %arg0[%get3A, %get3A_0, %get3A_1] : memref<4x392x128xf32, #tpu.memory_space<vmem>>, vector<4x392x128xf32>
    %get3A_3 = arith.constant 0 : index
    %get3A_4 = arith.constant 0 : index
    %get3A_5 = arith.constant 0 : index
    %get3A_6 = vector.load %arg1[%get3A_3, %get3A_4, %get3A_5] : memref<4x392x128xf32, #tpu.memory_space<vmem>>, vector<4x392x128xf32>
    %add3A = arith.constant 1.000000e+00 : f32
    %add3A_7 = vector.broadcast %add3A : f32 to vector<4x392x128xf32>
    %add3A_8 = arith.addf %get3A_2, %add3A_7 : vector<4x392x128xf32>
    %mul3A = arith.constant 1.115000e+02 : f32
    %mul3A_9 = vector.broadcast %mul3A : f32 to vector<4x392x128xf32>
    %mul3A_10 = arith.mulf %add3A_8, %mul3A_9 : vector<4x392x128xf32>
    %add3A_11 = arith.constant 1.000000e+00 : f32
    %add3A_12 = vector.broadcast %add3A_11 : f32 to vector<4x392x128xf32>
    %add3A_13 = arith.addf %get3A_6, %add3A_12 : vector<4x392x128xf32>
    %mul3A_14 = arith.constant 1.115000e+02 : f32
    %mul3A_15 = vector.broadcast %mul3A_14 : f32 to vector<4x392x128xf32>
    %mul3A_16 = arith.mulf %add3A_13, %mul3A_15 : vector<4x392x128xf32>
    %jit3A = arith.constant 0.000000e+00 : f32
    %jit3A_17 = arith.constant 2.230000e+02 : f32
    %max3A = vector.broadcast %jit3A : f32 to vector<4x392x128xf32>
    %max3A_18 = arith.maximumf %max3A, %mul3A_10 : vector<4x392x128xf32>
    %min3A = vector.broadcast %jit3A_17 : f32 to vector<4x392x128xf32>
    %min3A_19 = arith.minimumf %min3A, %max3A_18 : vector<4x392x128xf32>
    %jit3A_20 = arith.constant 0.000000e+00 : f32
    %jit3A_21 = arith.constant 2.230000e+02 : f32
    %max3A_22 = vector.broadcast %jit3A_20 : f32 to vector<4x392x128xf32>
    %max3A_23 = arith.maximumf %max3A_22, %mul3A_16 : vector<4x392x128xf32>
    %min3A_24 = vector.broadcast %jit3A_21 : f32 to vector<4x392x128xf32>
    %min3A_25 = arith.minimumf %min3A_24, %max3A_23 : vector<4x392x128xf32>
    %floor3A = math.floor %min3A_19 : vector<4x392x128xf32>
    %min3A_26 = arith.constant 2.220000e+02 : f32
    %min3A_27 = vector.broadcast %min3A_26 : f32 to vector<4x392x128xf32>
    %min3A_28 = arith.minimumf %floor3A, %min3A_27 : vector<4x392x128xf32>
    %floor3A_29 = math.floor %min3A_25 : vector<4x392x128xf32>
    %min3A_30 = arith.constant 2.220000e+02 : f32
    %min3A_31 = vector.broadcast %min3A_30 : f32 to vector<4x392x128xf32>
    %min3A_32 = arith.minimumf %floor3A_29, %min3A_31 : vector<4x392x128xf32>
    %sub3A = arith.subf %min3A_19, %min3A_28 : vector<4x392x128xf32>
    %swap3A = arith.constant 0 : index
    %swap3A_33 = arith.constant 0 : index
    %swap3A_34 = arith.constant 0 : index
    %swap3A_35 = vector.load %arg3[%swap3A, %swap3A_33, %swap3A_34] : memref<4x392x128xf32, #tpu.memory_space<vmem>>, vector<4x392x128xf32>
    tpu.vector_store %arg3[%swap3A, %swap3A_33, %swap3A_34], %sub3A {strides = array<i32>} : memref<4x392x128xf32, #tpu.memory_space<vmem>>, vector<4x392x128xf32>,
    %sub3A_36 = arith.subf %min3A_25, %min3A_32 : vector<4x392x128xf32>
    %swap3A_37 = arith.constant 0 : index
    %swap3A_38 = arith.constant 0 : index
    %swap3A_39 = arith.constant 0 : index
    %swap3A_40 = vector.load %arg4[%swap3A_37, %swap3A_38, %swap3A_39] : memref<4x392x128xf32, #tpu.memory_space<vmem>>, vector<4x392x128xf32>
    tpu.vector_store %arg4[%swap3A_37, %swap3A_38, %swap3A_39], %sub3A_36 {strides = array<i32>} : memref<4x392x128xf32, #tpu.memory_space<vmem>>, vector<4x392x128xf32>,
    %convert_element_type3A = arith.fptosi %min3A_32 : vector<4x392x128xf32> to vector<4x392x128xi32>
    %mul3A_41 = arith.constant 224 : i32
    %mul3A_42 = vector.broadcast %mul3A_41 : i32 to vector<4x392x128xi32>
    %mul3A_43 = arith.muli %convert_element_type3A, %mul3A_42 : vector<4x392x128xi32>
    %convert_element_type3A_44 = arith.fptosi %min3A_28 : vector<4x392x128xf32> to vector<4x392x128xi32>
    %add3A_45 = arith.addi %mul3A_43, %convert_element_type3A_44 : vector<4x392x128xi32>
    %swap3A_46 = arith.constant 0 : index
    %swap3A_47 = arith.constant 0 : index
    %swap3A_48 = arith.constant 0 : index
    %swap3A_49 = vector.load %arg2[%swap3A_46, %swap3A_47, %swap3A_48] : memref<4x392x128xi32, #tpu.memory_space<vmem>>, vector<4x392x128xi32>
    tpu.vector_store %arg2[%swap3A_46, %swap3A_47, %swap3A_48], %add3A_45 {strides = array<i32>} : memref<4x392x128xi32, #tpu.memory_space<vmem>>, vector<4x392x128xi32>,
    return
  }
}

</mosaic_0001>

<sc_bundles>
// kernel: kernel.4.cloned.1.call-start
scs
__scs_entry_jumppad:
0x0: {  	(pc) =	sbr.rel $0x88, $3  }
0x1: {  	(tag) =	ssettag $0x0;
	lr =	simm.s32 $0x1  }
0x2: {  	[smem:$0x3F9F] =	sst lr;
	_ =	strace $0xD0000000  }
0x3: {  	_ = 	snop  }
0x4: {  	_ = 	snop  }
0x5: {  	_ = 	snop  }
0x6: {  	_ = 	snop  }
0x7: {  	_ = 	snop  }
__scs_overlays_trampoline_lowered:
0x8: {  	[smem:$0x3FAE] =	sst s0  }
0x9: {  	[smem:$0x3FAF] =	sst s1  }
0xa: {  	[smem:$0x3FB0] =	sst s2  }
0xb: {  	[smem:$0x3FB1] =	sst s3  }
0xc: {  	[smem:$0x3FB2] =	sst s4  }
0xd: {  	[smem:$0x3FB3] =	sst s5  }
0xe: {  	[smem:$0x3FB4] =	sst s6  }
0xf: {  	[smem:$0x3FB5] =	sst s7  }
0x10: {  	[smem:$0x3FB6] =	sst s8  }
0x11: {  	[smem:$0x3FB7] =	sst s9;
	s0 =	simm.s32 @!p0 $0x0  }
0x12: {  	s1 =	sld [smem:$0x3F9D];
	s0 =	simm.s32 @p0 $0x1  }
0x13: {  	[smem:$0x3FB8] =	sst s0;
	s0 =	simm.s32 @!p1 $0x0  }
0x14: {  	s2 =	sld [smem:$0x3F9C];
	s0 =	simm.s32 @p1 $0x1  }
0x15: {  	[smem:$0x3FB9] =	sst s0;
	s0 =	simm.s32 @!p2 $0x0  }
0x16: {  	s3 =	sld [smem:$0x3FDB];
	s0 =	simm.s32 @p2 $0x1  }
0x17: {  	s4 =	simm.s32 $0x1BF5;
	[smem:$0x3FBB] =	sst s0  }
0x18: {  	s0 =	sld [smem:$0x3F9E];
	_ =	swait.ge [sflag:s4], $0x0  }
0x19: {  	s7 =	sld [smem:$0x3F9F]  }
0x1a: {  	s8 =	sadd.s32 $0xFFFFE003, lr  }
0x1b: {  	s9 =	sadd.s32 $0xFFFFFEF7, lr;
	s5 =	simm.s32 $0xFFFFFFFF;
	p2 =	slt.u32 s8, $0xFFFFF086  }
0x1c: {  	p1 =	slt.u32 s9, $0xF7A;
	s5 =	simm.s32 @!p2 $0x0  }
0x1d: {  	s5 =	simm.s32 @p1 $0x1;
	p0 =	seq.s32 s7, s2  }
0x1e: {  	s7 =	smul.u32 @!p0 $0xF7A, s2;
	p2 =	seq.s32 @!p0 s5, $0x0  }
0x1f: {  	s9 =	smul.u32 $0xF7A, s1;
	s8 =	simm.s32 @!p0 $0x1BF5;
	p2 =	por !p2, p0  }
0x20: {  	[sflag:s8] =	ssyncset.s32 @!p0 $0xFFFFF086;
	s6 =	sadd.s32 @!p0 s3, s7;
	s7 =	simm.s32 @!p0 $0x108  }
0x21: {  	s3 =	sadd.s32 s3, s9;
	s6 =	sadd.s32 @!p0 $0x88, s6;
	s7 =	simm.s32 @p2 $0x1082  }
0x22: {  	[simem:s7], [sflag:s8] =	dma.local @!p0 [hbm:s6], $0xF7A  }
0x23: {  	s9 =	sor.u32 $0xD0000000, s2;
	s6 =	simm.s32 $0x108;
	_ =	swait.ge @!p0 [sflag:s8], $0x0  }
0x24: {  	s3 =	sadd.s32 $0x88, s3;
	s6 =	simm.s32 @!p1 $0x1082;
	[sflag:s4] =	ssyncset.s32 $0xFFFFF086  }
0x25: {  	[simem:s6], [sflag:s4] =	dma.local [hbm:s3], $0xF7A  }
0x26: {  	[smem:$0x3F9F] =	sst s1;
	(tag) =	ssettag s2;
	_ =	strace s9  }
0x27: {  	s1 =	sld [smem:$0x3FAF]  }
0x28: {  	s2 =	sld [smem:$0x3FB0]  }
0x29: {  	s4 =	sld [smem:$0x3FB2]  }
0x2a: {  	p0 =	seq.s32 s5, $0x0;
	s5 =	sld [smem:$0x3FB3]  }
0x2b: {  	s6 =	sld [smem:$0x3FB4]  }
0x2c: {  	s7 =	sld [smem:$0x3FB5]  }
0x2d: {  	s3 =	simm.s32 $0x108;
	s8 =	sld [smem:$0x3FB6]  }
0x2e: {  	s3 =	simm.s32 @!p0 $0x1082;
	s9 =	sld [smem:$0x3FB7]  }
0x2f: {  	lr =	sadd.s32 s0, s3;
	s0 =	sld [smem:$0x3FAE]  }
0x30: {  	s3 =	sld [smem:$0x3FB1]  }
0x31: {  	[smem:$0x3FBA] =	sst s10  }
0x32: {  	s10 =	sld [smem:$0x3FB8];
	_ =	sdelay $0x3  }
0x33: {  	p0 =	seq.s32 s10, $0x1;
	s10 =	sld [smem:$0x3FBA];
	_ =	sdelay $0x3  }
0x34: {  	[smem:$0x3FBA] =	sst s10  }
0x35: {  	s10 =	sld [smem:$0x3FB9];
	_ =	sdelay $0x3  }
0x36: {  	p1 =	seq.s32 s10, $0x1;
	s10 =	sld [smem:$0x3FBA];
	_ =	sdelay $0x3  }
0x37: {  	[smem:$0x3FBA] =	sst s10  }
0x38: {  	s10 =	sld [smem:$0x3FBB]  }
0x39: {  	_ = 	snop;
	(pc) =	sbr.ind lr, $3  }
0x3a: {  	_ = 	snop  }
0x3b: {  	_ = 	snop  }
0x3c: {  	p2 =	seq.s32 s10, $0x1;
	s10 =	sld [smem:$0x3FBA]  }
0x3d: {  	_ =	shalt  }
0x3e: {  	_ =	shalt  }
0x3f: {  	_ =	shalt  }
0x40: {  	_ =	shalt  }
0x41: {  	_ =	shalt  }
0x42: {  	_ =	shalt  }
0x43: {  	_ =	shalt  }
0x44: {  	_ =	shalt  }
0x45: {  	_ =	shalt  }
0x46: {  	_ =	shalt  }
0x47: {  	_ =	shalt  }
0x48: {  	_ =	shalt  }
0x49: {  	_ =	shalt  }
0x4a: {  	_ =	shalt  }
0x4b: {  	_ =	shalt  }
0x4c: {  	_ =	shalt  }
0x4d: {  	_ =	shalt  }
0x4e: {  	_ =	shalt  }
0x4f: {  	_ =	shalt  }
0x50: {  	_ =	shalt  }
0x51: {  	_ =	shalt  }
0x52: {  	_ =	shalt  }
0x53: {  	_ =	shalt  }
0x54: {  	_ =	shalt  }
0x55: {  	_ =	shalt  }
0x56: {  	_ =	shalt  }
0x57: {  	_ =	shalt  }
0x58: {  	_ =	shalt  }
0x59: {  	_ =	shalt  }
0x5a: {  	_ =	shalt  }
0x5b: {  	_ =	shalt  }
0x5c: {  	_ =	shalt  }
0x5d: {  	_ =	shalt  }
0x5e: {  	_ =	shalt  }
0x5f: {  	_ =	shalt  }
0x60: {  	_ =	shalt  }
0x61: {  	_ =	shalt  }
0x62: {  	_ =	shalt  }
0x63: {  	_ =	shalt  }
0x64: {  	_ =	shalt  }
0x65: {  	_ =	shalt  }
0x66: {  	_ =	shalt  }
0x67: {  	_ =	shalt  }
0x68: {  	_ =	shalt  }
0x69: {  	_ =	shalt  }
0x6a: {  	_ =	shalt  }
0x6b: {  	_ =	shalt  }
0x6c: {  	_ =	shalt  }
0x6d: {  	_ =	shalt  }
0x6e: {  	_ =	shalt  }
0x6f: {  	_ =	shalt  }
0x70: {  	_ =	shalt  }
0x71: {  	_ =	shalt  }
0x72: {  	_ =	shalt  }
0x73: {  	_ =	shalt  }
0x74: {  	_ =	shalt  }
0x75: {  	_ =	shalt  }
0x76: {  	_ =	shalt  }
0x77: {  	_ =	shalt  }
0x78: {  	_ =	shalt  }
0x79: {  	_ =	shalt  }
0x7a: {  	_ =	shalt  }
0x7b: {  	_ =	shalt  }
0x7c: {  	_ =	shalt  }
0x7d: {  	_ =	shalt  }
0x7e: {  	_ =	shalt  }
0x7f: {  	_ =	shalt  }
0x80: {  	_ =	shalt  }
0x81: {  	_ =	shalt  }
0x82: {  	_ =	shalt  }
0x83: {  	_ =	shalt  }
0x84: {  	_ =	shalt  }
0x85: {  	_ =	shalt  }
0x86: {  	_ =	shalt  }
0x87: {  	_ =	shalt  }
.Lfunc_end0:
.L_simem_size_0:
called_computation_lowered:
.L_overlay_start_0:
0x88: {  	s2 =	sld [smem:$0x3FD9]  }
0x89: {  	s3 =	sld [smem:$0x3FFE];
	_ =	sdelay $0x1  }
0x8a: {  	s1 =	srdreg.scid  }
0x8b: {  	s0 =	sand.u32 $0x1, s1  }
0x8c: {  	s17 =	sshll.u32 s0, $0xA;
	s2 =	sadd.s32 s3, s2  }
0x8d: {  	s2 =	sadd.s32 s2, s17  }
0x8e: {  	[smem:$0x3FC6] =	sst s2  }
0x8f: {  	_ = 	snop  }
0x90: {  	s2 =	sld [smem:$0x3FD0];
	(tm) =	ssettm $0x1  }
0x91: {  	s18 =	sld [smem:$0x3FFB];
	_ =	sdelay $0x3  }
0x92: {  	_ =	strace s18  }
0x93: {  	s3 =	sld [smem:$0x3FFC];
	_ =	sdelay $0x3  }
0x94: {  	_ =	strace s3  }
0x95: {  	s3 =	sld [smem:$0x3FFD];
	_ =	sdelay $0x3  }
0x96: {  	_ =	strace s3  }
0x97: {  	_ =	strace $0x8FFFFFFF  }
0x98: {  	s19 =	sld [smem:$0x3FDB];
	_ =	sdelay $0x1  }
0x99: {  	s4 =	simm.s32 $_scs_section_size  }
0x9a: {  	s5 =	simm.s32 $_size__tile_overlayer_lowered;
	s6 =	simm.s32 $_tile_overlayer_lowered  }
0x9b: {  	s22 =	simm.s32 $0x1BFF;
	s21 =	sshll.u32 s6, $0x1;
	s3 =	sadd.s32 s4, s19  }
0x9c: {  	s7 =	simm.s32 $0x0;
	s20 =	sshll.u32 s5, $0x1;
	s5 =	sadd.s32 s21, s3  }
0x9d: {  	[timem:s7], [sflag:s22] =	dma.local [hbm:s5], s20  }
0x9e: {  	_ =	swait.ge [sflag:s22], s20  }
0x9f: {  	s4 =	ssub.s32 $0x0, s20;
	[sflag:s22] =	ssyncset.done $0x0  }
0xa0: {  	[sflag:s22] =	ssyncadd.s32 s4;
	_ =	sdelay $0x1  }
0xa1: {  	s23 =	simm.s32 $0x1B8B  }
0xa2: {  	_ =	swait.ge [sflag:s23], $0x1  }
0xa3: {  	[sflag:s23] =	ssyncset.done $0x0  }
0xa4: {  	s25 =	simm.s32 $0x1B8E;
	s24 =	sld [smem:$0x3FFE];
	[sflag:s23] =	ssyncadd.s32 $0xFFFFFFFF  }
0xa5: {  	s26 =	simm.s32 $execute0_lowered;
	[smem:$0x3FD2] =	sst s25  }
0xa6: {  	s5 =	sshll.u32 s26, $0x1;
	_ =	strace $0x80000046;
	[dreg:$0x1] =	wrdreg $0xFFFFFFFF  }
0xa7: {  	s28 =	simm.s32 $_size_execute0_lowered;
	s3 =	sadd.s32 s3, s5;
	[dreg:$0x0] =	wrdreg $0x0  }
0xa8: {  	s5 =	sshll.u32 s28, $0x1;
	[dreg:$0x2] =	wrdreg s3  }
0xa9: {  	[dreg:$0x3] =	wrdreg s5  }
0xaa: {  	[dreg:$0x4] =	wrdreg $0xC0  }
0xab: {  	_ =	task [dreg:s7], $0x5FFFF  }
0xac: {  	[dreg:$0x1] =	wrdreg $0xFFFFFFFF  }
0xad: {  	[dreg:$0x0] =	wrdreg $0x60  }
0xae: {  	[dreg:$0x2] =	wrdreg s2  }
0xaf: {  	[dreg:$0x3] =	wrdreg s24  }
0xb0: {  	[dreg:$0x4] =	wrdreg $0x9  }
0xb1: {  	_ =	task.clear_ibuf [dreg:s7], $0x5FFFF;
	_ =	strace $0x90000046  }
0xb2: {  	s29 =	simm.s32 $0x9;
	_ =	strace $0x80000048  }
0xb3: {  	_ =	swait.ge [sflag:s29], $0x1  }
0xb4: {  	[sflag:s29] =	ssyncadd.s32 $0xFFFFFFFF  }
0xb5: {  	_ =	strace $0x90000048  }
0xb6: {  	_ =	sfence  }
0xb7: {  	s30 =	sld [smem:$0x0];
	_ =	sdelay $0x2  }
0xb8: {  	s31 =	sshll.u32 s1, $0xD;
	s1 =	sshrl.u32 s1, $0x2  }
0xb9: {  	s3 =	sand.u32 $0x4000, s31;
	s1 =	sadd.s32 s1, s30  }
0xba: {  	s0 =	sor.u32 s3, s0;
	s1 =	sshll.u32 s1, $0x11  }
0xbb: {  	s0 =	sor.u32 s1, s0  }
0xbc: {  	s0 =	sadd.s32 $0x8F2B, s0  }
0xbd: {  	[sflag:s0] =	ssyncadd.remote.s32 $0x1  }
0xbe: {  	_ =	sfence.sel $0xFFFF  }
0xbf: {  	[dreg:$0x0] =	wrdreg $0xFFFFFFFF;
	(pc) =	sbr.abs _section_cstart, $3  }
0xc0: {  	[dreg:$0x1] =	wrdreg $0xFFFFFFFF  }
0xc1: {  	_ =	task.clear_ibuf [dreg:s7], $0x2FFFF;
	_ =	strace $0x9FFFFFFF  }
0xc2: {  	(tm) =	ssettm $0x7FFFFFFF  }
0xc3: {  	_ =	shalt  }
tec
execute0_lowered:
.L_overlay_start_1:
0x0: {  	(tag) =	ssettag $0x1  }
0x1: {  	s0 =	srdreg.scid  }
0x2: {  	s0 =	sand.u32 $0x1, s0  }
0x3: {  	s2 =	stileid.u32;
	s8 =	rddreg [dreg:$0x1];
	s1 =	sshll.u32 s0, $0x4  }
0x4: {  	s3 =	simm.s32 $0x0;
	s1 =	sor.u32 s2, s1;
	s2 =	sand.u32 $0x7, s2  }
0x5: {  	s16 =	simm.s32 $0xC400;
	p0 =	seq.s32 s1, $0x0;
	p1 =	sne.s32 s2, $0x0  }
0x6: {  	[smem:$0x7FF] =	sst s3;
	s0 =	ssub.s32 $0x2, s0;
	p0 =	por !p1, !p0  }
0x7: {  	s20 =	sshrl.u32 s0, $0x1;
	s2 =	simm.s32 $0x1;
	p0 =	por !p0, !p0  }
0x8: {  	s5 =	sshrl.u32 s1, $0x3;
	s1 =	smul.u32 $0xC, s1;
	s2 =	simm.s32 @!p0 $0x0  }
0x9: {  	_ =	strace $0x80000047;
	s0 =	ssub.s32 s0, s20;
	s2 =	ssub.s32 s5, s2  }
0xa: {  	s0 =	smax.u32 s0, $0x1;
	[dreg:$0x3] =	wrdreg s1;
	s6 =	smul.u32 $0xC400, s2  }
0xb: {  	s17 =	simm.s32 $0x2;
	s28 =	simm.s32 $0x1CB80;
	[dreg:$0x8] =	wrdreg s0  }
0xc: {  	s5 =	sadd.s32 $0x6600, s8;
	s21 =	sshrl.u32 s6, $0x3;
	s23 =	sadd.s32 $0xE00, s6  }
0xd: {  	s7 =	sadd.s32 $0xC800, s8;
	s9 =	sadd.s32 s5, s21;
	[dreg:$0x7] =	wrdreg s23  }
0xe: {  	s4 =	sadd.s32 $0x400, s8;
	s2 =	sadd.s32 s7, s21;
	[dreg:$0x5] =	wrdreg s9  }
0xf: {  	s29 =	simm.s32 $0x1CC80;
	s22 =	sadd.s32 s4, s21;
	[dreg:$0x6] =	wrdreg s2  }
0x10: {  	s30 =	simm.s32 $0x1CD80;
	s24 =	sadd.s32 $0x10, s22;
	[dreg:$0x4] =	wrdreg s22  }
0x11: {  	s8 =	sadd.s32 $0x12A00, s8;
	s25 =	sadd.s32 $0x20, s22;
	[dreg:$0x9] =	wrdreg s24  }
0x12: {  	s21 =	simm.s32 $0x3;
	s26 =	sadd.s32 $0x30, s22;
	[dreg:$0xa] =	wrdreg s25  }
0x13: {  	s31 =	sadd.s32 $0x40, s22;
	s2 =	simm.s32 $0x0;
	[dreg:$0xb] =	wrdreg s26  }
0x14: {  	[dreg:$0xc] =	wrdreg s31;
	s25 =	simm.s32 $0x1C980;
	s26 =	simm.s32 $0x1CA80  }
.LBB2_1:
0x15: {  	[dreg:$0xd] =	wrdreg s2;
	s10 =	simm.s32 $0x0  }
.LBB2_2:
0x16: {  	s0 =	sshll.u32 s10, $0x1;
	s1 =	rddreg [dreg:$0x3]  }
0x17: {  	s0 =	sadd.s32 s1, s0  }
0x18: {  	s31 =	smul.u32 $0xC400, s0;
	_ =	sdelay $0x1  }
0x19: {  	s2 =	rddreg [dreg:$0x0];
	s0 =	sshrl.u32 s31, $0x3;
	s1 =	sadd.s32 $0xC400, s31  }
0x1a: {  	s0 =	sadd.s32 s2, s0;
	s24 =	sshrl.u32 s1, $0x3  }
0x1b: {  	[tilespmem:s3], [sflag:$0x1] =	stream.linear.gather [hbm4b:s0+s3], $0xC400, $0x38;
	[tilespmem:$0x1CE00] =	vst v63  }
0x1c: {  	s0 =	sadd.s32 s2, s24  }
0x1d: {  	[tilespmem:s16], [sflag:$0x1] =	stream.linear.gather [hbm4b:s0+s3], $0xC400, $0x38;
	[tilespmem:$0x1CE00] =	vst v63  }
0x1e: {  	s9 =	simm.s32 $0x18800;
	s2 =	rddreg [dreg:$0x4]  }
0x1f: {  	[tilespmem:s9], [sflag:$0x2] =	stream.linear.gather [hbm4b:s2+s3], $0x80, $0x38;
	[tilespmem:$0x1CE00] =	vst v63  }
0x20: {  	s11 =	rddreg [dreg:$0x9];
	s9 =	simm.s32 $0x18900  }
0x21: {  	[tilespmem:s9], [sflag:$0x2] =	stream.linear.gather [hbm4b:s11+s3], $0x80, $0x38;
	[tilespmem:$0x1CE00] =	vst v63  }
0x22: {  	s12 =	rddreg [dreg:$0xa];
	s13 =	simm.s32 $0x18A00  }
0x23: {  	[tilespmem:s13], [sflag:$0x2] =	stream.linear.gather [hbm4b:s12+s3], $0x80, $0x38;
	[tilespmem:$0x1CE00] =	vst v63  }
0x24: {  	s14 =	rddreg [dreg:$0xb];
	s15 =	simm.s32 $0x18B00  }
0x25: {  	[tilespmem:s15], [sflag:$0x2] =	stream.linear.gather [hbm4b:s14+s3], $0x80, $0x38;
	[tilespmem:$0x1CE00] =	vst v63  }
0x26: {  	s18 =	rddreg [dreg:$0xc];
	s19 =	simm.s32 $0x18C00  }
0x27: {  	[tilespmem:s19], [sflag:$0x2] =	stream.linear.gather [hbm4b:s18+s3], $0x80, $0x38;
	[tilespmem:$0x1CE00] =	vst v63  }
0x28: {  	s22 =	simm.s32 $0x18D00;
	s20 =	sadd.s32 $0x50, s2  }
0x29: {  	[tilespmem:s22], [sflag:$0x2] =	stream.linear.gather [hbm4b:s20+s3], $0x80, $0x38;
	[tilespmem:$0x1CE00] =	vst v63  }
0x2a: {  	s24 =	simm.s32 $0x18E00;
	s23 =	sadd.s32 $0x60, s2  }
0x2b: {  	[tilespmem:s24], [sflag:$0x2] =	stream.linear.gather [hbm4b:s23+s3], $0x80, $0x38;
	[tilespmem:$0x1CE00] =	vst v63  }
0x2c: {  	s9 =	sadd.s32 $0x70, s2;
	s11 =	simm.s32 $0x18F00  }
0x2d: {  	[tilespmem:s11], [sflag:$0x2] =	stream.linear.gather [hbm4b:s9+s3], $0x80, $0x38;
	[tilespmem:$0x1CE00] =	vst v63  }
0x2e: {  	s12 =	sadd.s32 $0x80, s2;
	s13 =	simm.s32 $0x19000  }
0x2f: {  	[tilespmem:s13], [sflag:$0x2] =	stream.linear.gather [hbm4b:s12+s3], $0x80, $0x38;
	[tilespmem:$0x1CE00] =	vst v63  }
0x30: {  	s14 =	sadd.s32 $0x90, s2;
	s15 =	simm.s32 $0x19100  }
0x31: {  	[tilespmem:s15], [sflag:$0x2] =	stream.linear.gather [hbm4b:s14+s3], $0x80, $0x38;
	[tilespmem:$0x1CE00] =	vst v63  }
0x32: {  	s18 =	sadd.s32 $0xA0, s2;
	s19 =	simm.s32 $0x19200  }
0x33: {  	[tilespmem:s19], [sflag:$0x2] =	stream.linear.gather [hbm4b:s18+s3], $0x80, $0x38;
	[tilespmem:$0x1CE00] =	vst v63  }
0x34: {  	s20 =	sadd.s32 $0xB0, s2;
	s22 =	simm.s32 $0x19300  }
0x35: {  	[tilespmem:s22], [sflag:$0x2] =	stream.linear.gather [hbm4b:s20+s3], $0x80, $0x38;
	[tilespmem:$0x1CE00] =	vst v63  }
0x36: {  	s23 =	sadd.s32 $0xC0, s2;
	s24 =	simm.s32 $0x19400  }
0x37: {  	[tilespmem:s24], [sflag:$0x2] =	stream.linear.gather [hbm4b:s23+s3], $0x80, $0x38;
	[tilespmem:$0x1CE00] =	vst v63  }
0x38: {  	s11 =	sadd.s32 $0xD0, s2;
	s12 =	simm.s32 $0x19500  }
0x39: {  	[tilespmem:s12], [sflag:$0x2] =	stream.linear.gather [hbm4b:s11+s3], $0x80, $0x38;
	[tilespmem:$0x1CE00] =	vst v63  }
0x3a: {  	s2 =	rddreg [dreg:$0x5];
	s13 =	simm.s32 $0x19600  }
0x3b: {  	[tilespmem:s13], [sflag:$0x2] =	stream.linear.gather [hbm4b:s2+s3], $0x80, $0x38;
	[tilespmem:$0x1CE00] =	vst v63  }
0x3c: {  	s14 =	sadd.s32 $0x10, s2;
	s15 =	simm.s32 $0x19700  }
0x3d: {  	[tilespmem:s15], [sflag:$0x2] =	stream.linear.gather [hbm4b:s14+s3], $0x80, $0x38;
	[tilespmem:$0x1CE00] =	vst v63  }
0x3e: {  	s18 =	sadd.s32 $0x20, s2;
	s19 =	simm.s32 $0x19800  }
0x3f: {  	[tilespmem:s19], [sflag:$0x2] =	stream.linear.gather [hbm4b:s18+s3], $0x80, $0x38;
	[tilespmem:$0x1CE00] =	vst v63  }
0x40: {  	s20 =	sadd.s32 $0x30, s2;
	s22 =	simm.s32 $0x19900  }
0x41: {  	[tilespmem:s22], [sflag:$0x2] =	stream.linear.gather [hbm4b:s20+s3], $0x80, $0x38;
	[tilespmem:$0x1CE00] =	vst v63  }
0x42: {  	s23 =	sadd.s32 $0x40, s2;
	s24 =	simm.s32 $0x19A00  }
0x43: {  	[tilespmem:s24], [sflag:$0x2] =	stream.linear.gather [hbm4b:s23+s3], $0x80, $0x38;
	[tilespmem:$0x1CE00] =	vst v63  }
0x44: {  	s9 =	sadd.s32 $0x50, s2;
	s11 =	simm.s32 $0x19B00  }
0x45: {  	[tilespmem:s11], [sflag:$0x2] =	stream.linear.gather [hbm4b:s9+s3], $0x80, $0x38;
	[tilespmem:$0x1CE00] =	vst v63  }
0x46: {  	s12 =	sadd.s32 $0x60, s2;
	s13 =	simm.s32 $0x19C00  }
0x47: {  	[tilespmem:s13], [sflag:$0x2] =	stream.linear.gather [hbm4b:s12+s3], $0x80, $0x38;
	[tilespmem:$0x1CE00] =	vst v63  }
0x48: {  	s14 =	sadd.s32 $0x70, s2;
	s15 =	simm.s32 $0x19D00  }
0x49: {  	[tilespmem:s15], [sflag:$0x2] =	stream.linear.gather [hbm4b:s14+s3], $0x80, $0x38;
	[tilespmem:$0x1CE00] =	vst v63  }
0x4a: {  	s18 =	sadd.s32 $0x80, s2;
	s19 =	simm.s32 $0x19E00  }
0x4b: {  	[tilespmem:s19], [sflag:$0x2] =	stream.linear.gather [hbm4b:s18+s3], $0x80, $0x38;
	[tilespmem:$0x1CE00] =	vst v63  }
0x4c: {  	s20 =	sadd.s32 $0x90, s2;
	s22 =	simm.s32 $0x19F00  }
0x4d: {  	[tilespmem:s22], [sflag:$0x2] =	stream.linear.gather [hbm4b:s20+s3], $0x80, $0x38;
	[tilespmem:$0x1CE00] =	vst v63  }
0x4e: {  	s23 =	sadd.s32 $0xA0, s2;
	s24 =	simm.s32 $0x1A000  }
0x4f: {  	[tilespmem:s24], [sflag:$0x2] =	stream.linear.gather [hbm4b:s23+s3], $0x80, $0x38;
	[tilespmem:$0x1CE00] =	vst v63  }
0x50: {  	s11 =	sadd.s32 $0xB0, s2;
	s12 =	simm.s32 $0x1A100  }
0x51: {  	[tilespmem:s12], [sflag:$0x2] =	stream.linear.gather [hbm4b:s11+s3], $0x80, $0x38;
	[tilespmem:$0x1CE00] =	vst v63  }
0x52: {  	s13 =	sadd.s32 $0xC0, s2;
	s14 =	simm.s32 $0x1A200  }
0x53: {  	[tilespmem:s14], [sflag:$0x2] =	stream.linear.gather [hbm4b:s13+s3], $0x80, $0x38;
	[tilespmem:$0x1CE00] =	vst v63  }
0x54: {  	s15 =	sadd.s32 $0xD0, s2;
	s18 =	simm.s32 $0x1A300  }
0x55: {  	[tilespmem:s18], [sflag:$0x2] =	stream.linear.gather [hbm4b:s15+s3], $0x80, $0x38;
	[tilespmem:$0x1CE00] =	vst v63  }
0x56: {  	s2 =	rddreg [dreg:$0x6];
	s19 =	simm.s32 $0x1A400  }
0x57: {  	[tilespmem:s19], [sflag:$0x2] =	stream.linear.gather [hbm4b:s2+s3], $0x80, $0x38;
	[tilespmem:$0x1CE00] =	vst v63  }
0x58: {  	s20 =	sadd.s32 $0x10, s2;
	s22 =	simm.s32 $0x1A500  }
0x59: {  	[tilespmem:s22], [sflag:$0x2] =	stream.linear.gather [hbm4b:s20+s3], $0x80, $0x38;
	[tilespmem:$0x1CE00] =	vst v63  }
0x5a: {  	s23 =	sadd.s32 $0x20, s2;
	s24 =	simm.s32 $0x1A600  }
0x5b: {  	[tilespmem:s24], [sflag:$0x2] =	stream.linear.gather [hbm4b:s23+s3], $0x80, $0x38;
	[tilespmem:$0x1CE00] =	vst v63  }
0x5c: {  	s9 =	sadd.s32 $0x30, s2;
	s11 =	simm.s32 $0x1A700  }
0x5d: {  	[tilespmem:s11], [sflag:$0x2] =	stream.linear.gather [hbm4b:s9+s3], $0x80, $0x38;
	[tilespmem:$0x1CE00] =	vst v63  }
0x5e: {  	s12 =	sadd.s32 $0x40, s2;
	s13 =	simm.s32 $0x1A800  }
0x5f: {  	[tilespmem:s13], [sflag:$0x2] =	stream.linear.gather [hbm4b:s12+s3], $0x80, $0x38;
	[tilespmem:$0x1CE00] =	vst v63  }
0x60: {  	s14 =	sadd.s32 $0x50, s2;
	s15 =	simm.s32 $0x1A900  }
0x61: {  	[tilespmem:s15], [sflag:$0x2] =	stream.linear.gather [hbm4b:s14+s3], $0x80, $0x38;
	[tilespmem:$0x1CE00] =	vst v63  }
0x62: {  	s18 =	sadd.s32 $0x60, s2;
	s19 =	simm.s32 $0x1AA00  }
0x63: {  	[tilespmem:s19], [sflag:$0x2] =	stream.linear.gather [hbm4b:s18+s3], $0x80, $0x38;
	[tilespmem:$0x1CE00] =	vst v63  }
0x64: {  	s20 =	sadd.s32 $0x70, s2;
	s22 =	simm.s32 $0x1AB00  }
0x65: {  	[tilespmem:s22], [sflag:$0x2] =	stream.linear.gather [hbm4b:s20+s3], $0x80, $0x38;
	[tilespmem:$0x1CE00] =	vst v63  }
0x66: {  	s23 =	sadd.s32 $0x80, s2;
	s24 =	simm.s32 $0x1AC00  }
0x67: {  	[tilespmem:s24], [sflag:$0x2] =	stream.linear.gather [hbm4b:s23+s3], $0x80, $0x38;
	[tilespmem:$0x1CE00] =	vst v63  }
0x68: {  	s11 =	sadd.s32 $0x90, s2;
	s12 =	simm.s32 $0x1AD00  }
0x69: {  	[tilespmem:s12], [sflag:$0x2] =	stream.linear.gather [hbm4b:s11+s3], $0x80, $0x38;
	[tilespmem:$0x1CE00] =	vst v63  }
0x6a: {  	s13 =	sadd.s32 $0xA0, s2;
	s14 =	simm.s32 $0x1AE00  }
0x6b: {  	[tilespmem:s14], [sflag:$0x2] =	stream.linear.gather [hbm4b:s13+s3], $0x80, $0x38;
	[tilespmem:$0x1CE00] =	vst v63  }
0x6c: {  	[dreg:$0xe] =	wrdreg s10;
	s15 =	sadd.s32 $0xB0, s2;
	s18 =	simm.s32 $0x1AF00  }
0x6d: {  	[tilespmem:s18], [sflag:$0x2] =	stream.linear.gather [hbm4b:s15+s3], $0x80, $0x38;
	[tilespmem:$0x1CE00] =	vst v63  }
0x6e: {  	p0 =	seq.s32 s10, $0x0;
	s19 =	sadd.s32 $0xC0, s2;
	s20 =	simm.s32 $0x1B000  }
0x6f: {  	[tilespmem:s20], [sflag:$0x2] =	stream.linear.gather [hbm4b:s19+s3], $0x80, $0x38;
	[tilespmem:$0x1CE00] =	vst v63  }
0x70: {  	s0 =	simm.s32 @!p0 $0x4;
	s22 =	sadd.s32 $0xD0, s2;
	s23 =	simm.s32 $0x1B100  }
0x71: {  	[tilespmem:s23], [sflag:$0x2] =	stream.linear.gather [hbm4b:s22+s3], $0x80, $0x38;
	[tilespmem:$0x1CE00] =	vst v63  }
0x72: {  	_ =	swait.ge @!p0 [sflag:s0], $0x700  }
0x73: {  	[sflag:s0] =	ssyncset.done @!p0 $0x0  }
0x74: {  	[sflag:s0] =	ssyncadd.s32 @!p0 $0xFFFFF900  }
0x75: {  	_ =	swait.ge @!p0 [sflag:s0], $0x700  }
0x76: {  	[sflag:s0] =	ssyncset.done @!p0 $0x0  }
0x77: {  	[sflag:s0] =	ssyncadd.s32 @!p0 $0xFFFFF900;
	s0 =	simm.s32 @!p0 $0x5  }
0x78: {  	_ =	swait.ge @!p0 [sflag:s0], $0x700  }
0x79: {  	[sflag:s0] =	ssyncset.done @!p0 $0x0  }
0x7a: {  	[sflag:s0] =	ssyncadd.s32 @!p0 $0xFFFFF900  }
0x7b: {  	_ =	swait.ge @!p0 [sflag:s0], $0x700  }
0x7c: {  	[sflag:s0] =	ssyncset.done @!p0 $0x0  }
0x7d: {  	s24 =	simm.s32 $0x1;
	[sflag:s0] =	ssyncadd.s32 @!p0 $0xFFFFF900  }
0x7e: {  	_ =	swait.ge [sflag:s24], $0xC400  }
0x7f: {  	[sflag:s24] =	ssyncset.done $0x0  }
0x80: {  	[sflag:s24] =	ssyncadd.s32 $0xFFFF3C00  }
0x81: {  	_ =	swait.ge [sflag:s24], $0xC400  }
0x82: {  	[sflag:s24] =	ssyncset.done $0x0  }
0x83: {  	s15 =	simm.s32 $0x0;
	s0 =	simm.s32 $0x0;
	[sflag:s24] =	ssyncadd.s32 $0xFFFF3C00  }
.LBB2_3:
0x84: {  	s10 =	smul.u32 $0xE00, s15;
	_ =	sdelay $0x1  }
0x85: {  	s2 =	sadd.s32 $0x700, s10  }
0x86: {  	s9 =	sadd.s32 s6, s2  }
0x87: {  	s9 =	sshrl.u32 s9, $0x3  }
0x88: {  	s12 =	simm.s32 $0x18880;
	s11 =	sadd.s32 s4, s9  }
0x89: {  	[tilespmem:s12], [sflag:$0x3] =	stream.linear.gather [hbm4b:s11+s3], $0x80, $0x38;
	[tilespmem:$0x1CE00] =	vst v63  }
0x8a: {  	s13 =	simm.s32 $0x18980;
	s14 =	sadd.s32 $0x10, s11  }
0x8b: {  	[tilespmem:s13], [sflag:$0x3] =	stream.linear.gather [hbm4b:s14+s3], $0x80, $0x38;
	[tilespmem:$0x1CE00] =	vst v63  }
0x8c: {  	s19 =	simm.s32 $0x18A80;
	s18 =	sadd.s32 $0x20, s11  }
0x8d: {  	[tilespmem:s19], [sflag:$0x3] =	stream.linear.gather [hbm4b:s18+s3], $0x80, $0x38;
	[tilespmem:$0x1CE00] =	vst v63  }
0x8e: {  	s22 =	simm.s32 $0x18B80;
	s20 =	sadd.s32 $0x30, s11  }
0x8f: {  	[tilespmem:s22], [sflag:$0x3] =	stream.linear.gather [hbm4b:s20+s3], $0x80, $0x38;
	[tilespmem:$0x1CE00] =	vst v63  }
0x90: {  	s24 =	simm.s32 $0x18C80;
	s23 =	sadd.s32 $0x40, s11  }
0x91: {  	[tilespmem:s24], [sflag:$0x3] =	stream.linear.gather [hbm4b:s23+s3], $0x80, $0x38;
	[tilespmem:$0x1CE00] =	vst v63  }
0x92: {  	s13 =	sadd.s32 $0x50, s11;
	s14 =	simm.s32 $0x18D80  }
0x93: {  	[tilespmem:s14], [sflag:$0x3] =	stream.linear.gather [hbm4b:s13+s3], $0x80, $0x38;
	[tilespmem:$0x1CE00] =	vst v63  }
0x94: {  	s18 =	sadd.s32 $0x60, s11;
	s19 =	simm.s32 $0x18E80  }
0x95: {  	[tilespmem:s19], [sflag:$0x3] =	stream.linear.gather [hbm4b:s18+s3], $0x80, $0x38;
	[tilespmem:$0x1CE00] =	vst v63  }
0x96: {  	s20 =	sadd.s32 $0x70, s11;
	s22 =	simm.s32 $0x18F80  }
0x97: {  	[tilespmem:s22], [sflag:$0x3] =	stream.linear.gather [hbm4b:s20+s3], $0x80, $0x38;
	[tilespmem:$0x1CE00] =	vst v63  }
0x98: {  	s23 =	sadd.s32 $0x80, s11;
	s24 =	simm.s32 $0x19080  }
0x99: {  	[tilespmem:s24], [sflag:$0x3] =	stream.linear.gather [hbm4b:s23+s3], $0x80, $0x38;
	[tilespmem:$0x1CE00] =	vst v63  }
0x9a: {  	s13 =	sadd.s32 $0x90, s11;
	s14 =	simm.s32 $0x19180  }
0x9b: {  	[tilespmem:s14], [sflag:$0x3] =	stream.linear.gather [hbm4b:s13+s3], $0x80, $0x38;
	[tilespmem:$0x1CE00] =	vst v63  }
0x9c: {  	s18 =	sadd.s32 $0xA0, s11;
	s19 =	simm.s32 $0x19280  }
0x9d: {  	[tilespmem:s19], [sflag:$0x3] =	stream.linear.gather [hbm4b:s18+s3], $0x80, $0x38;
	[tilespmem:$0x1CE00] =	vst v63  }
0x9e: {  	s20 =	sadd.s32 $0xB0, s11;
	s22 =	simm.s32 $0x19380  }
0x9f: {  	[tilespmem:s22], [sflag:$0x3] =	stream.linear.gather [hbm4b:s20+s3], $0x80, $0x38;
	[tilespmem:$0x1CE00] =	vst v63  }
0xa0: {  	s23 =	sadd.s32 $0xC0, s11;
	s24 =	simm.s32 $0x19480  }
0xa1: {  	[tilespmem:s24], [sflag:$0x3] =	stream.linear.gather [hbm4b:s23+s3], $0x80, $0x38;
	[tilespmem:$0x1CE00] =	vst v63  }
0xa2: {  	s11 =	sadd.s32 $0xD0, s11;
	s13 =	simm.s32 $0x19580  }
0xa3: {  	[tilespmem:s13], [sflag:$0x3] =	stream.linear.gather [hbm4b:s11+s3], $0x80, $0x38;
	[tilespmem:$0x1CE00] =	vst v63  }
0xa4: {  	s14 =	simm.s32 $0x19680;
	s11 =	sadd.s32 s5, s9  }
0xa5: {  	[tilespmem:s14], [sflag:$0x3] =	stream.linear.gather [hbm4b:s11+s3], $0x80, $0x38;
	[tilespmem:$0x1CE00] =	vst v63  }
0xa6: {  	s19 =	simm.s32 $0x19780;
	s18 =	sadd.s32 $0x10, s11  }
0xa7: {  	[tilespmem:s19], [sflag:$0x3] =	stream.linear.gather [hbm4b:s18+s3], $0x80, $0x38;
	[tilespmem:$0x1CE00] =	vst v63  }
0xa8: {  	s22 =	simm.s32 $0x19880;
	s20 =	sadd.s32 $0x20, s11  }
0xa9: {  	[tilespmem:s22], [sflag:$0x3] =	stream.linear.gather [hbm4b:s20+s3], $0x80, $0x38;
	[tilespmem:$0x1CE00] =	vst v63  }
0xaa: {  	s24 =	simm.s32 $0x19980;
	s23 =	sadd.s32 $0x30, s11  }
0xab: {  	[tilespmem:s24], [sflag:$0x3] =	stream.linear.gather [hbm4b:s23+s3], $0x80, $0x38;
	[tilespmem:$0x1CE00] =	vst v63  }
0xac: {  	s13 =	sadd.s32 $0x40, s11;
	s14 =	simm.s32 $0x19A80  }
0xad: {  	[tilespmem:s14], [sflag:$0x3] =	stream.linear.gather [hbm4b:s13+s3], $0x80, $0x38;
	[tilespmem:$0x1CE00] =	vst v63  }
0xae: {  	s18 =	sadd.s32 $0x50, s11;
	s19 =	simm.s32 $0x19B80  }
0xaf: {  	[tilespmem:s19], [sflag:$0x3] =	stream.linear.gather [hbm4b:s18+s3], $0x80, $0x38;
	[tilespmem:$0x1CE00] =	vst v63  }
0xb0: {  	s20 =	sadd.s32 $0x60, s11;
	s22 =	simm.s32 $0x19C80  }
0xb1: {  	[tilespmem:s22], [sflag:$0x3] =	stream.linear.gather [hbm4b:s20+s3], $0x80, $0x38;
	[tilespmem:$0x1CE00] =	vst v63  }
0xb2: {  	s23 =	sadd.s32 $0x70, s11;
	s24 =	simm.s32 $0x19D80  }
0xb3: {  	[tilespmem:s24], [sflag:$0x3] =	stream.linear.gather [hbm4b:s23+s3], $0x80, $0x38;
	[tilespmem:$0x1CE00] =	vst v63  }
0xb4: {  	s13 =	sadd.s32 $0x80, s11;
	s14 =	simm.s32 $0x19E80  }
0xb5: {  	[tilespmem:s14], [sflag:$0x3] =	stream.linear.gather [hbm4b:s13+s3], $0x80, $0x38;
	[tilespmem:$0x1CE00] =	vst v63  }
0xb6: {  	s18 =	sadd.s32 $0x90, s11;
	s19 =	simm.s32 $0x19F80  }
0xb7: {  	[tilespmem:s19], [sflag:$0x3] =	stream.linear.gather [hbm4b:s18+s3], $0x80, $0x38;
	[tilespmem:$0x1CE00] =	vst v63  }
0xb8: {  	s20 =	sadd.s32 $0xA0, s11;
	s22 =	simm.s32 $0x1A080  }
0xb9: {  	[tilespmem:s22], [sflag:$0x3] =	stream.linear.gather [hbm4b:s20+s3], $0x80, $0x38;
	[tilespmem:$0x1CE00] =	vst v63  }
0xba: {  	s23 =	sadd.s32 $0xB0, s11;
	s24 =	simm.s32 $0x1A180  }
0xbb: {  	[tilespmem:s24], [sflag:$0x3] =	stream.linear.gather [hbm4b:s23+s3], $0x80, $0x38;
	[tilespmem:$0x1CE00] =	vst v63  }
0xbc: {  	s13 =	sadd.s32 $0xC0, s11;
	s14 =	simm.s32 $0x1A280  }
0xbd: {  	[tilespmem:s14], [sflag:$0x3] =	stream.linear.gather [hbm4b:s13+s3], $0x80, $0x38;
	[tilespmem:$0x1CE00] =	vst v63  }
0xbe: {  	s11 =	sadd.s32 $0xD0, s11;
	s18 =	simm.s32 $0x1A380  }
0xbf: {  	[tilespmem:s18], [sflag:$0x3] =	stream.linear.gather [hbm4b:s11+s3], $0x80, $0x38;
	[tilespmem:$0x1CE00] =	vst v63  }
0xc0: {  	s9 =	sadd.s32 s7, s9;
	s19 =	simm.s32 $0x1A480  }
0xc1: {  	[tilespmem:s19], [sflag:$0x3] =	stream.linear.gather [hbm4b:s9+s3], $0x80, $0x38;
	[tilespmem:$0x1CE00] =	vst v63  }
0xc2: {  	s20 =	sadd.s32 $0x10, s9;
	s22 =	simm.s32 $0x1A580  }
0xc3: {  	[tilespmem:s22], [sflag:$0x3] =	stream.linear.gather [hbm4b:s20+s3], $0x80, $0x38;
	[tilespmem:$0x1CE00] =	vst v63  }
0xc4: {  	s23 =	sadd.s32 $0x20, s9;
	s24 =	simm.s32 $0x1A680  }
0xc5: {  	[tilespmem:s24], [sflag:$0x3] =	stream.linear.gather [hbm4b:s23+s3], $0x80, $0x38;
	[tilespmem:$0x1CE00] =	vst v63  }
0xc6: {  	s13 =	sadd.s32 $0x30, s9;
	s14 =	simm.s32 $0x1A780  }
0xc7: {  	[tilespmem:s14], [sflag:$0x3] =	stream.linear.gather [hbm4b:s13+s3], $0x80, $0x38;
	[tilespmem:$0x1CE00] =	vst v63  }
0xc8: {  	s18 =	sadd.s32 $0x40, s9;
	s19 =	simm.s32 $0x1A880  }
0xc9: {  	[tilespmem:s19], [sflag:$0x3] =	stream.linear.gather [hbm4b:s18+s3], $0x80, $0x38;
	[tilespmem:$0x1CE00] =	vst v63  }
0xca: {  	s20 =	sadd.s32 $0x50, s9;
	s22 =	simm.s32 $0x1A980  }
0xcb: {  	[tilespmem:s22], [sflag:$0x3] =	stream.linear.gather [hbm4b:s20+s3], $0x80, $0x38;
	[tilespmem:$0x1CE00] =	vst v63  }
0xcc: {  	s23 =	sadd.s32 $0x60, s9;
	s24 =	simm.s32 $0x1AA80  }
0xcd: {  	[tilespmem:s24], [sflag:$0x3] =	stream.linear.gather [hbm4b:s23+s3], $0x80, $0x38;
	[tilespmem:$0x1CE00] =	vst v63  }
0xce: {  	s13 =	sadd.s32 $0x70, s9;
	s14 =	simm.s32 $0x1AB80  }
0xcf: {  	[tilespmem:s14], [sflag:$0x3] =	stream.linear.gather [hbm4b:s13+s3], $0x80, $0x38;
	[tilespmem:$0x1CE00] =	vst v63  }
0xd0: {  	s18 =	sadd.s32 $0x80, s9;
	s19 =	simm.s32 $0x1AC80  }
0xd1: {  	[tilespmem:s19], [sflag:$0x3] =	stream.linear.gather [hbm4b:s18+s3], $0x80, $0x38;
	[tilespmem:$0x1CE00] =	vst v63  }
0xd2: {  	s20 =	sadd.s32 $0x90, s9;
	s22 =	simm.s32 $0x1AD80  }
0xd3: {  	[tilespmem:s22], [sflag:$0x3] =	stream.linear.gather [hbm4b:s20+s3], $0x80, $0x38;
	[tilespmem:$0x1CE00] =	vst v63  }
0xd4: {  	s23 =	sadd.s32 $0xA0, s9;
	s24 =	simm.s32 $0x1AE80  }
0xd5: {  	[tilespmem:s24], [sflag:$0x3] =	stream.linear.gather [hbm4b:s23+s3], $0x80, $0x38;
	[tilespmem:$0x1CE00] =	vst v63  }
0xd6: {  	s12 =	sadd.s32 $0xB0, s9;
	s13 =	simm.s32 $0x1AF80  }
0xd7: {  	[tilespmem:s13], [sflag:$0x3] =	stream.linear.gather [hbm4b:s12+s3], $0x80, $0x38;
	[tilespmem:$0x1CE00] =	vst v63  }
0xd8: {  	s14 =	sadd.s32 $0xC0, s9;
	s18 =	simm.s32 $0x1B080  }
0xd9: {  	[tilespmem:s18], [sflag:$0x3] =	stream.linear.gather [hbm4b:s14+s3], $0x80, $0x38;
	[tilespmem:$0x1CE00] =	vst v63  }
0xda: {  	s9 =	sadd.s32 $0xD0, s9;
	s19 =	simm.s32 $0x1B180  }
0xdb: {  	[tilespmem:s19], [sflag:$0x3] =	stream.linear.gather [hbm4b:s9+s3], $0x80, $0x38;
	[tilespmem:$0x1CE00] =	vst v63  }
0xdc: {  	_ =	swait.ge [sflag:s17], $0x700  }
0xdd: {  	[sflag:s17] =	ssyncset.done $0x0  }
0xde: {  	[sflag:s17] =	ssyncadd.s32 $0xFFFFF900  }
0xdf: {  	_ =	swait.ge [sflag:s17], $0x700  }
0xe0: {  	[sflag:s17] =	ssyncset.done $0x0  }
0xe1: {  	[sflag:s17] =	ssyncadd.s32 $0xFFFFF900  }
0xe2: {  	_ =	swait.ge [sflag:s17], $0x700  }
0xe3: {  	p0 =	seq.s32 s15, $0x0;
	[sflag:s17] =	ssyncset.done $0x0  }
0xe4: {  	s9 =	simm.s32 @!p0 $0x4;
	[sflag:s17] =	ssyncadd.s32 $0xFFFFF900  }
0xe5: {  	_ =	swait.ge @!p0 [sflag:s9], $0x700  }
0xe6: {  	[sflag:s9] =	ssyncset.done @!p0 $0x0  }
0xe7: {  	[sflag:s9] =	ssyncadd.s32 @!p0 $0xFFFFF900  }
0xe8: {  	_ =	swait.ge @!p0 [sflag:s9], $0x700  }
0xe9: {  	s20 =	sand.u32 $0x40, s0;
	s22 =	sand.u32 $0xF00, s0;
	[sflag:s9] =	ssyncset.done @!p0 $0x0  }
0xea: {  	s18 =	sor.u32 s20, s22;
	[sflag:s9] =	ssyncadd.s32 @!p0 $0xFFFFF900  }
0xeb: {  	v2 =	vld [tilespmem:s18+$0x18830]  }
0xec: {  	v3 =	vld [tilespmem:s18+$0x18800]  }
0xed: {  	v4 =	vld [tilespmem:s18+$0x18810]  }
0xee: {  	v25 =	vld [tilespmem:s18+$0x18820]  }
0xef: {  	v18 =	vld [tilespmem:s18+$0x19600]  }
0xf0: {  	v22 =	vld [tilespmem:s18+$0x19610]  }
0xf1: {  	v0 =	vld [tilespmem:s18+$0x19620]  }
0xf2: {  	s23 =	simm.s32 $0x80;
	s24 =	simm.s32 $0x40;
	v16 =	vld [tilespmem:s18+$0x1A400]  }
0xf3: {  	s11 =	sand.u32 $0x40, s24;
	s9 =	sand.u32 $0xF00, s23;
	v12 =	vld [tilespmem:s18+$0x19630]  }
0xf4: {  	v19 =	vld [tilespmem:s18+$0x1A430];
	s20 =	sor.u32 s11, s9  }
0xf5: {  	v45 =	vld [tilespmem:s20+$0x18830]  }
0xf6: {  	v49 =	vld [tilespmem:s20+$0x19630]  }
0xf7: {  	v55 =	vld [tilespmem:s20+$0x1A430];
	v5 =	vadd.s32 $0x1, v2  }
0xf8: {  	v6 =	vadd.s32 $0xE0, v2;
	v1 =	vld.idx.msk [tilespmem:v2+s3+$0x0], $0xffff  }
0xf9: {  	v7 =	vadd.s32 $0xE1, v2;
	v33 =	vld.idx.msk [tilespmem:v3+s3+$0x0], $0xffff  }
0xfa: {  	v8 =	vadd.s32 $0x1, v3;
	v37 =	vld.idx.msk [tilespmem:v4+s3+$0x0], $0xffff  }
0xfb: {  	v9 =	vadd.s32 $0xE0, v3;
	v58 =	vld.idx.msk [tilespmem:v25+s3+$0x0], $0xffff  }
0xfc: {  	v11 =	vadd.s32 $0xE1, v3;
	v10 =	vld.idx.msk [tilespmem:v5+s3+$0x0], $0xffff  }
0xfd: {  	v14 =	vadd.s32 $0x1, v4;
	v13 =	vld.idx.msk [tilespmem:v6+s3+$0x0], $0xffff  }
0xfe: {  	v32 =	vadd.s32 $0xE0, v4;
	v15 =	vld.idx.msk [tilespmem:v7+s3+$0x0], $0xffff  }
0xff: {  	v29 =	vadd.s32 $0xE0, v25;
	v17 =	vld.idx.msk [tilespmem:v8+s3+$0x0], $0xffff  }
0x100: {  	v46 =	vadd.s32 $0x1, v45;
	v20 =	vld.idx.msk [tilespmem:v9+s3+$0x0], $0xffff  }
0x101: {  	v21 =	vsub.f32 $1.000000000e+00, v12;
	v47 =	vadd.s32 $0xE0, v45;
	v23 =	vld.idx.msk [tilespmem:v11+s3+$0x0], $0xffff  }
0x102: {  	v48 =	vadd.s32 $0xE1, v45;
	v24 =	vld.idx.msk [tilespmem:v14+s3+$0x0], $0xffff  }
0x103: {  	v31 =	vadd.s32 $0xE1, v4;
	v34 =	vld.idx.msk [tilespmem:v32+s3+$0x0], $0xffff;
	v1 =	vmul.f32 v1, v21;
	v10 =	vmul.f32 v10, v12  }
0x104: {  	v26 =	vadd.s32 $0x1, v25;
	v39 =	vld.idx.msk [tilespmem:v29+s3+$0x0], $0xffff;
	v13 =	vmul.f32 v13, v21;
	v15 =	vmul.f32 v15, v12  }
0x105: {  	v27 =	vsub.f32 $1.000000000e+00, v18;
	v35 =	vsub.f32 $1.000000000e+00, v19;
	v51 =	vld.idx.msk [tilespmem:v46+s3+$0x0], $0xffff  }
0x106: {  	v30 =	vadd.s32 $0xE1, v25;
	v60 =	vld.idx.msk [tilespmem:v47+s3+$0x0], $0xffff;
	v1 =	vadd.f32 v10, v1;
	v13 =	vadd.f32 v15, v13  }
0x107: {  	v54 =	vld.idx.msk [tilespmem:v48+s3+$0x0], $0xffff;
	v33 =	vmul.f32 v33, v27;
	v17 =	vmul.f32 v17, v18  }
0x108: {  	v10 =	vld.idx.msk [tilespmem:v31+s3+$0x0], $0xffff;
	v36 =	vmul.f32 v1, v35;
	v13 =	vmul.f32 v13, v19  }
0x109: {  	v20 =	vmul.f32 v20, v27;
	v23 =	vmul.f32 v23, v18;
	v15 =	vld.idx.msk [tilespmem:v26+s3+$0x0], $0xffff  }
0x10a: {  	v17 =	vadd.f32 v17, v33;
	v33 =	vld [tilespmem:s20+$0x18800];
	v13 =	vadd.f32 v13, v36  }
0x10b: {  	v28 =	vsub.f32 $1.000000000e+00, v22;
	v20 =	vadd.f32 v23, v20;
	v23 =	vld.idx.msk [tilespmem:v30+s3+$0x0], $0xffff  }
0x10c: {  	v38 =	vsub.f32 $1.000000000e+00, v16;
	v1 =	vld [tilespmem:s18+$0x1A410];
	[tilespmem:s18+$0x1B230] =	vst v13  }
0x10d: {  	v34 =	vmul.f32 v34, v28;
	v13 =	vmul.f32 v20, v16;
	v20 =	vld.idx.msk [tilespmem:v2+s16+$0x0], $0xffff  }
0x10e: {  	v17 =	vmul.f32 v17, v38;
	v10 =	vmul.f32 v10, v22;
	v59 =	vld.idx.msk [tilespmem:v5+s16+$0x0], $0xffff  }
0x10f: {  	v24 =	vmul.f32 v24, v22;
	v36 =	vadd.s32 $0xE0, v33;
	v2 =	vmul.f32 v37, v28;
	v40 =	vld.idx.msk [tilespmem:v6+s16+$0x0], $0xffff  }
0x110: {  	v10 =	vadd.f32 v10, v34;
	v6 =	vadd.f32 v13, v17;
	v13 =	vld.idx.msk [tilespmem:v7+s16+$0x0], $0xffff  }
0x111: {  	v5 =	vadd.f32 v24, v2;
	v2 =	vld [tilespmem:s18+$0x1A420]  }
0x112: {  	v7 =	vmul.f32 v10, v1;
	v10 =	vld [tilespmem:s20+$0x18810]  }
0x113: {  	[tilespmem:s18+$0x1B200] =	vst v6;
	v6 =	vld [tilespmem:s20+$0x18820]  }
0x114: {  	v56 =	vld.idx.msk [tilespmem:v36+s3+$0x0], $0xffff  }
0x115: {  	v57 =	vsub.f32 $1.000000000e+00, v49;
	v17 =	vld.idx.msk [tilespmem:v3+s16+$0x0], $0xffff  }
0x116: {  	v37 =	vsub.f32 $1.000000000e+00, v1;
	v24 =	vld.idx.msk [tilespmem:v8+s16+$0x0], $0xffff  }
0x117: {  	v54 =	vmul.f32 v54, v49;
	v34 =	vmul.f32 v60, v57;
	v41 =	vld.idx.msk [tilespmem:v9+s16+$0x0], $0xffff  }
0x118: {  	v5 =	vmul.f32 v5, v37;
	v42 =	vld.idx.msk [tilespmem:v11+s16+$0x0], $0xffff;
	v9 =	vsub.f32 $1.000000000e+00, v0  }
0x119: {  	v34 =	vadd.f32 v54, v34;
	v11 =	vmul.f32 v23, v0;
	v23 =	vld.idx.msk [tilespmem:v45+s3+$0x0], $0xffff  }
0x11a: {  	v3 =	vadd.f32 v7, v5;
	v5 =	vld [tilespmem:s20+$0x19600];
	v8 =	vmul.f32 v39, v9  }
0x11b: {  	v51 =	vmul.f32 v51, v49;
	v52 =	vadd.s32 $0xE1, v33;
	v34 =	vmul.f32 v34, v55;
	v7 =	vld [tilespmem:s20+$0x19620]  }
0x11c: {  	v39 =	vadd.s32 $0x1, v33;
	[tilespmem:s18+$0x1B210] =	vst v3;
	v3 =	vld [tilespmem:s20+$0x19610];
	v50 =	vadd.f32 v11, v8;
	v8 =	vmul.f32 v58, v9  }
0x11d: {  	v11 =	vmul.f32 v20, v21;
	v20 =	vmul.f32 v59, v12;
	v43 =	vld.idx.msk [tilespmem:v4+s16+$0x0], $0xffff  }
0x11e: {  	v21 =	vmul.f32 v40, v21;
	v44 =	vld.idx.msk [tilespmem:v14+s16+$0x0], $0xffff;
	v14 =	vmul.f32 v15, v0  }
0x11f: {  	v4 =	vld [tilespmem:s20+$0x1A400];
	v15 =	vadd.s32 $0x1, v10;
	v58 =	vmul.f32 v17, v27;
	v24 =	vmul.f32 v24, v18  }
0x120: {  	v27 =	vmul.f32 v41, v27;
	v41 =	vld.idx.msk [tilespmem:v52+s3+$0x0], $0xffff;
	v17 =	vadd.s32 $0xE1, v6;
	v23 =	vmul.f32 v23, v57  }
0x121: {  	v18 =	vmul.f32 v42, v18;
	v53 =	vadd.f32 v14, v8;
	v40 =	vld.idx.msk [tilespmem:v39+s3+$0x0], $0xffff;
	v24 =	vadd.f32 v24, v58  }
0x122: {  	v14 =	vadd.f32 v20, v11;
	v11 =	vadd.s32 $0xE0, v10;
	v20 =	vmul.f32 v13, v12;
	v61 =	vld.idx.msk [tilespmem:v6+s3+$0x0], $0xffff  }
0x123: {  	v42 =	vsub.f32 $1.000000000e+00, v55;
	v12 =	vadd.s32 $0xE1, v10;
	v38 =	vmul.f32 v24, v38;
	v24 =	vld [tilespmem:s20+$0x1A410]  }
0x124: {  	v50 =	vmul.f32 v50, v2;
	v8 =	vsub.f32 $1.000000000e+00, v2;
	v20 =	vadd.f32 v20, v21;
	v59 =	vld.idx.msk [tilespmem:v15+s3+$0x0], $0xffff  }
0x125: {  	v13 =	vadd.s32 $0x1, v6;
	v23 =	vadd.f32 v51, v23;
	v35 =	vmul.f32 v14, v35;
	v58 =	vld.idx.msk [tilespmem:v17+s3+$0x0], $0xffff  }
0x126: {  	v14 =	vadd.s32 $0xE0, v6;
	v60 =	vmul.f32 v20, v19;
	v19 =	vadd.f32 v18, v27;
	v27 =	vld.idx.msk [tilespmem:v33+s3+$0x0], $0xffff  }
0x127: {  	v53 =	vmul.f32 v53, v8;
	v23 =	vmul.f32 v23, v42;
	v21 =	vld.idx.msk [tilespmem:v11+s3+$0x0], $0xffff  }
0x128: {  	v43 =	vmul.f32 v43, v28;
	v44 =	vmul.f32 v44, v22;
	v51 =	vld.idx.msk [tilespmem:v12+s3+$0x0], $0xffff  }
0x129: {  	v41 =	vmul.f32 v41, v5;
	v18 =	vsub.f32 $1.000000000e+00, v5;
	v23 =	vadd.f32 v34, v23;
	v34 =	vld.idx.msk [tilespmem:v10+s3+$0x0], $0xffff  }
0x12a: {  	v50 =	vadd.f32 v50, v53;
	v54 =	vld.idx.msk [tilespmem:v13+s3+$0x0], $0xffff;
	v20 =	vadd.f32 v44, v43;
	v40 =	vmul.f32 v40, v5  }
0x12b: {  	v16 =	vmul.f32 v19, v16;
	v19 =	vsub.f32 $1.000000000e+00, v3;
	v62 =	vmul.f32 v56, v18;
	[tilespmem:s20+$0x1B230] =	vst v23;
	v53 =	vld.idx.msk [tilespmem:v14+s3+$0x0], $0xffff  }
0x12c: {  	v35 =	vadd.f32 v60, v35;
	v20 =	vmul.f32 v20, v37;
	v44 =	vld.idx.msk [tilespmem:v45+s16+$0x0], $0xffff;
	v63 =	vmul.f32 v59, v3  }
0x12d: {  	v43 =	vld.idx.msk [tilespmem:v46+s16+$0x0], $0xffff;
	v38 =	vadd.f32 v16, v38;
	v16 =	vmul.f32 v21, v19;
	v23 =	vmul.f32 v51, v3  }
0x12e: {  	v37 =	vld.idx.msk [tilespmem:v32+s16+$0x0], $0xffff;
	v41 =	vadd.f32 v41, v62;
	v60 =	vmul.f32 v58, v7;
	v34 =	vmul.f32 v34, v19  }
0x12f: {  	v47 =	vld.idx.msk [tilespmem:v47+s16+$0x0], $0xffff;
	v21 =	vsub.f32 $1.000000000e+00, v7;
	v46 =	vadd.f32 v23, v16;
	v23 =	vmul.f32 v27, v18  }
0x130: {  	v48 =	vld.idx.msk [tilespmem:v48+s16+$0x0], $0xffff;
	v56 =	vmul.f32 v54, v7;
	v62 =	vmul.f32 v41, v4  }
0x131: {  	v16 =	vsub.f32 $1.000000000e+00, v4;
	v59 =	vmul.f32 v53, v21;
	v27 =	vld [tilespmem:s20+$0x1A420];
	v40 =	vadd.f32 v40, v23  }
0x132: {  	[tilespmem:s18+$0x1B220] =	vst v50;
	v34 =	vadd.f32 v63, v34;
	v61 =	vmul.f32 v61, v21;
	v43 =	vmul.f32 v43, v49  }
0x133: {  	[tilespmem:s18+$0x1C030] =	vst v35;
	v58 =	vld.idx.msk [tilespmem:v25+s16+$0x0], $0xffff;
	v37 =	vmul.f32 v37, v28;
	v23 =	vsub.f32 $1.000000000e+00, v24;
	v40 =	vmul.f32 v40, v16  }
0x134: {  	v53 =	vld.idx.msk [tilespmem:v31+s16+$0x0], $0xffff;
	v63 =	vadd.f32 v60, v59;
	v31 =	vmul.f32 v46, v24;
	v54 =	vadd.f32 v56, v61  }
0x135: {  	v35 =	vld.idx.msk [tilespmem:v30+s16+$0x0], $0xffff;
	v59 =	vmul.f32 v44, v57;
	v61 =	vmul.f32 v47, v57;
	v25 =	vadd.f32 v62, v40  }
0x136: {  	[tilespmem:s18+$0x1C000] =	vst v38;
	v60 =	vld.idx.msk [tilespmem:v26+s16+$0x0], $0xffff;
	v56 =	vmul.f32 v34, v23;
	v32 =	vsub.f32 $1.000000000e+00, v27;
	v62 =	vmul.f32 v48, v49  }
0x137: {  	v34 =	vld.idx.msk [tilespmem:v29+s16+$0x0], $0xffff;
	v29 =	vmul.f32 v63, v27;
	v40 =	vadd.f32 v43, v59;
	[tilespmem:s20+$0x1B200] =	vst v25  }
0x138: {  	v30 =	vmul.f32 v54, v32;
	v25 =	vadd.f32 v31, v56;
	v38 =	vadd.f32 v62, v61;
	v26 =	vld.idx.msk [tilespmem:v33+s16+$0x0], $0xffff  }
0x139: {  	v63 =	vmul.f32 v53, v22;
	v22 =	vmul.f32 v40, v42;
	v31 =	vld.idx.msk [tilespmem:v39+s16+$0x0], $0xffff  }
0x13a: {  	v28 =	vld.idx.msk [tilespmem:v36+s16+$0x0], $0xffff;
	v33 =	vadd.f32 v29, v30;
	[tilespmem:s20+$0x1B210] =	vst v25;
	v25 =	vmul.f32 v38, v55  }
0x13b: {  	s19 =	simm.s32 $0x80;
	s9 =	simm.s32 $0x4;
	s11 =	simm.s32 $0x100;
	v29 =	vld.idx.msk [tilespmem:v52+s16+$0x0], $0xffff;
	v30 =	vadd.f32 v63, v37;
	v36 =	vmul.f32 v58, v9;
	v37 =	vmul.f32 v60, v0  }
.LBB2_4:
0x13c: {  	s12 =	sand.u32 $0x40, s19;
	s13 =	sand.u32 $0xF00, s11;
	v38 =	vld.idx.msk [tilespmem:v10+s16+$0x0], $0xffff;
	[tilespmem:s20+$0x1B220] =	vst v33;
	v10 =	vadd.f32 v25, v22;
	v33 =	vmul.f32 v34, v9;
	v22 =	vmov v17  }
0x13d: {  	v34 =	vmul.f32 v35, v0;
	s12 =	sor.u32 s12, s13;
	v15 =	vld.idx.msk [tilespmem:v15+s16+$0x0], $0xffff;
	v17 =	vmul.f32 v30, v1;
	v30 =	vadd.f32 v37, v36  }
0x13e: {  	v0 =	vmovc v7;
	v25 =	vmovc v19;
	v9 =	vmov v21;
	v36 =	vmul.f32 v26, v18;
	v1 =	vmov v24;
	v35 =	vld [tilespmem:s12+$0x18830];
	[tilespmem:s20+$0x1C030] =	vst v10  }
0x13f: {  	v7 =	vmul.f32 v31, v5;
	v19 =	vadd.f32 v34, v33;
	v26 =	vld [tilespmem:s12+$0x18800];
	v24 =	vmul.f32 v30, v8;
	v8 =	vmovc v32  }
0x140: {  	v18 =	vmul.f32 v28, v18;
	v17 =	vadd.f32 v17, v20;
	v10 =	vld [tilespmem:s12+$0x18810]  }
0x141: {  	s9 =	sadd.s32 $0x4, s9;
	v20 =	vadd.f32 v7, v36;
	v7 =	vmul.f32 v29, v5;
	v33 =	vmul.f32 v19, v2;
	v2 =	vmovc v27;
	v32 =	vld [tilespmem:s12+$0x18820]  }
0x142: {  	p1 =	slt.u32 s9, $0x6C;
	v21 =	vmul.f32 v38, v25;
	v5 =	vld [tilespmem:s12+$0x19600];
	[tilespmem:s18+$0x1C010] =	vst v17  }
0x143: {  	v34 =	vadd.f32 v7, v18;
	v36 =	vmul.f32 v15, v3;
	v28 =	vld [tilespmem:s12+$0x19610];
	v27 =	vadd.s32 $0x1, v35  }
0x144: {  	v37 =	vadd.s32 $0xE0, v35;
	v31 =	vadd.s32 $0x1, v26;
	v29 =	vadd.s32 $0xE0, v26;
	v7 =	vld [tilespmem:s12+$0x19620]  }
0x145: {  	v39 =	vadd.s32 $0xE1, v35;
	v30 =	vadd.s32 $0xE1, v26;
	v38 =	vld [tilespmem:s12+$0x1A400];
	v15 =	vadd.s32 $0x1, v10  }
0x146: {  	v40 =	vadd.s32 $0xE0, v10;
	v41 =	vadd.s32 $0xE1, v10;
	v42 =	vadd.s32 $0x1, v32;
	v43 =	vld [tilespmem:s12+$0x19630]  }
0x147: {  	v44 =	vadd.s32 $0xE0, v32;
	v17 =	vadd.s32 $0xE1, v32;
	v18 =	vsub.f32 $1.000000000e+00, v5;
	v45 =	vld.idx.msk [tilespmem:v35+s3+$0x0], $0xffff  }
0x148: {  	v47 =	vmul.f32 v20, v16;
	v20 =	vadd.f32 v36, v21;
	v19 =	vsub.f32 $1.000000000e+00, v28;
	v46 =	vld.idx.msk [tilespmem:v27+s3+$0x0], $0xffff  }
0x149: {  	v24 =	vadd.f32 v33, v24;
	v34 =	vmul.f32 v34, v4;
	v21 =	vsub.f32 $1.000000000e+00, v7;
	v36 =	vld.idx.msk [tilespmem:v37+s3+$0x0], $0xffff  }
0x14a: {  	v20 =	vmul.f32 v20, v23;
	v16 =	vsub.f32 $1.000000000e+00, v38;
	v33 =	vld.idx.msk [tilespmem:v39+s3+$0x0], $0xffff;
	v4 =	vmov v38  }
0x14b: {  	v34 =	vadd.f32 v34, v47;
	v23 =	vld.idx.msk [tilespmem:v31+s3+$0x0], $0xffff;
	[tilespmem:s18+$0x1C020] =	vst v24;
	s18 =	smov.u32 s20;
	s20 =	smov.u32 s12  }
0x14c: {  	v38 =	vld [tilespmem:s20+$0x1A430]  }
0x14d: {  	v47 =	vsub.f32 $1.000000000e+00, v43;
	v24 =	vld.idx.msk [tilespmem:v29+s3+$0x0], $0xffff;
	[tilespmem:s18+$0x1C000] =	vst v34  }
0x14e: {  	v34 =	vld.idx.msk [tilespmem:v30+s3+$0x0], $0xffff  }
0x14f: {  	v45 =	vmul.f32 v45, v47;
	v46 =	vmul.f32 v46, v43;
	v48 =	vld.idx.msk [tilespmem:v15+s3+$0x0], $0xffff  }
0x150: {  	v36 =	vmul.f32 v36, v47;
	v33 =	vmul.f32 v33, v43;
	v49 =	vld.idx.msk [tilespmem:v40+s3+$0x0], $0xffff  }
0x151: {  	v23 =	vmul.f32 v23, v5;
	v50 =	vld.idx.msk [tilespmem:v41+s3+$0x0], $0xffff;
	v51 =	vsub.f32 $1.000000000e+00, v38  }
0x152: {  	v45 =	vadd.f32 v46, v45;
	v33 =	vadd.f32 v33, v36;
	v52 =	vld.idx.msk [tilespmem:v42+s3+$0x0], $0xffff  }
0x153: {  	v24 =	vmul.f32 v24, v18;
	v36 =	vld.idx.msk [tilespmem:v44+s3+$0x0], $0xffff  }
0x154: {  	v45 =	vmul.f32 v45, v51;
	v33 =	vmul.f32 v33, v38;
	v46 =	vld.idx.msk [tilespmem:v17+s3+$0x0], $0xffff  }
0x155: {  	v34 =	vmul.f32 v34, v5;
	v48 =	vmul.f32 v48, v28;
	v53 =	vld.idx.msk [tilespmem:v26+s3+$0x0], $0xffff  }
0x156: {  	v49 =	vmul.f32 v49, v19;
	v33 =	vadd.f32 v33, v45;
	v54 =	vld.idx.msk [tilespmem:v10+s3+$0x0], $0xffff  }
0x157: {  	v34 =	vadd.f32 v34, v24;
	v45 =	vmul.f32 v50, v28;
	v50 =	vld.idx.msk [tilespmem:v32+s3+$0x0], $0xffff  }
0x158: {  	v52 =	vmul.f32 v52, v7;
	v24 =	vld [tilespmem:s20+$0x1A410];
	[tilespmem:s20+$0x1B230] =	vst v33  }
0x159: {  	v33 =	vmul.f32 v34, v4;
	v34 =	vadd.f32 v45, v49;
	v36 =	vmul.f32 v36, v21;
	v35 =	vld.idx.msk [tilespmem:v35+s16+$0x0], $0xffff  }
0x15a: {  	v45 =	vmul.f32 v46, v7;
	v46 =	vld.idx.msk [tilespmem:v27+s16+$0x0], $0xffff  }
0x15b: {  	v27 =	vmul.f32 v53, v18;
	v37 =	vld.idx.msk [tilespmem:v37+s16+$0x0], $0xffff  }
0x15c: {  	v49 =	vmul.f32 v54, v19;
	v36 =	vadd.f32 v45, v36;
	v39 =	vld.idx.msk [tilespmem:v39+s16+$0x0], $0xffff  }
0x15d: {  	v45 =	vadd.f32 v23, v27;
	v50 =	vmul.f32 v50, v21;
	v23 =	vsub.f32 $1.000000000e+00, v24;
	v27 =	vld [tilespmem:s20+$0x1A420]  }
0x15e: {  	v48 =	vadd.f32 v48, v49;
	v49 =	vmul.f32 v34, v24;
	v53 =	vld.idx.msk [tilespmem:v11+s16+$0x0], $0xffff;
	v11 =	vmov v40  }
0x15f: {  	v34 =	vmul.f32 v45, v16;
	v40 =	vadd.f32 v52, v50;
	v45 =	vld.idx.msk [tilespmem:v12+s16+$0x0], $0xffff;
	v12 =	vmov v41  }
0x160: {  	v41 =	vmul.f32 v48, v23;
	v48 =	vld.idx.msk [tilespmem:v6+s16+$0x0], $0xffff;
	v6 =	vmov v32  }
0x161: {  	v50 =	vmul.f32 v35, v47;
	v46 =	vmul.f32 v46, v43;
	v33 =	vadd.f32 v33, v34;
	v52 =	vld.idx.msk [tilespmem:v13+s16+$0x0], $0xffff  }
0x162: {  	v37 =	vmul.f32 v37, v47;
	v39 =	vmul.f32 v39, v43;
	v13 =	vmovc v42;
	v32 =	vsub.f32 $1.000000000e+00, v27;
	v34 =	vld.idx.msk [tilespmem:v14+s16+$0x0], $0xffff  }
.Ltmp0:
0x163: {  	v36 =	vmul.f32 v36, v27;
	v14 =	vmov v44;
	[tilespmem:s20+$0x1B200] =	vst v33;
	v33 =	vadd.f32 v49, v41;
	v35 =	vld.idx.msk [tilespmem:v22+s16+$0x0], $0xffff;
	(pc) =	sbr.rel @p1 .LBB2_4-.Ltmp0, $4  }
0x164: {  	v37 =	vadd.f32 v39, v37;
	v26 =	vld.idx.msk [tilespmem:v26+s16+$0x0], $0xffff;
	v22 =	vmul.f32 v40, v32;
	v40 =	vadd.f32 v46, v50  }
0x165: {  	v39 =	vmul.f32 v53, v25;
	v41 =	vmul.f32 v45, v3;
	v3 =	vmov v28;
	v31 =	vld.idx.msk [tilespmem:v31+s16+$0x0], $0xffff;
	[tilespmem:s20+$0x1B210] =	vst v33  }
0x166: {  	v25 =	vmul.f32 v37, v38;
	v28 =	vld.idx.msk [tilespmem:v29+s16+$0x0], $0xffff;
	v33 =	vadd.f32 v36, v22;
	v22 =	vmul.f32 v40, v51  }
0x167: {  	s11 =	sadd.s32 $0x80, s11;
	s19 =	sadd.s32 $0x40, s19;
	v36 =	vmul.f32 v48, v9;
	v37 =	vmul.f32 v52, v0;
	v29 =	vld.idx.msk [tilespmem:v30+s16+$0x0], $0xffff;
	v30 =	vadd.f32 v41, v39  }
0x168: {  	_ =	sdelay $0x3  }
0x169: {  	v10 =	vld.idx.msk [tilespmem:v10+s16+$0x0], $0xffff  }
0x16a: {  	v15 =	vld.idx.msk [tilespmem:v15+s16+$0x0], $0xffff  }
0x16b: {  	v11 =	vld.idx.msk [tilespmem:v11+s16+$0x0], $0xffff  }
0x16c: {  	[tilespmem:s20+$0x1B220] =	vst v33;
	v12 =	vld.idx.msk [tilespmem:v12+s16+$0x0], $0xffff  }
0x16d: {  	v9 =	vmul.f32 v34, v9;
	v0 =	vmul.f32 v35, v0;
	v6 =	vld.idx.msk [tilespmem:v6+s16+$0x0], $0xffff  }
0x16e: {  	v1 =	vmul.f32 v30, v1;
	v48 =	vadd.f32 v37, v36;
	v13 =	vld.idx.msk [tilespmem:v13+s16+$0x0], $0xffff  }
0x16f: {  	v26 =	vmul.f32 v26, v18;
	v49 =	vld.idx.msk [tilespmem:v14+s16+$0x0], $0xffff;
	v31 =	vmul.f32 v31, v5;
	v0 =	vadd.f32 v0, v9  }
0x170: {  	v17 =	vld.idx.msk [tilespmem:v17+s16+$0x0], $0xffff;
	v8 =	vmul.f32 v48, v8;
	v50 =	vmul.f32 v28, v18  }
0x171: {  	v51 =	vmul.f32 v29, v5;
	v0 =	vmul.f32 v0, v2  }
0x172: {  	v52 =	vadd.f32 v25, v22;
	v10 =	vmul.f32 v10, v19;
	v15 =	vmul.f32 v15, v3  }
0x173: {  	v1 =	vadd.f32 v1, v20;
	v11 =	vmul.f32 v11, v19;
	v53 =	vmul.f32 v12, v3  }
0x174: {  	v54 =	vadd.f32 v31, v26;
	v6 =	vmul.f32 v6, v21;
	v13 =	vmul.f32 v13, v7  }
0x175: {  	v5 =	vadd.f32 v51, v50;
	v9 =	vmul.f32 v49, v21;
	v55 =	vmul.f32 v17, v7  }
0x176: {  	v12 =	vmul.f32 v54, v16;
	v10 =	vadd.f32 v15, v10;
	v3 =	vadd.f32 v53, v11  }
0x177: {  	v4 =	vmul.f32 v5, v4;
	v56 =	vadd.f32 v13, v6;
	v57 =	vadd.f32 v55, v9  }
0x178: {  	[tilespmem:s20+$0x1C030] =	vst v52;
	v0 =	vadd.f32 v0, v8;
	v58 =	vmul.f32 v10, v23;
	v3 =	vmul.f32 v3, v24  }
0x179: {  	[tilespmem:s18+$0x1C010] =	vst v1;
	v59 =	vadd.f32 v4, v12;
	v60 =	vmul.f32 v56, v32;
	v61 =	vmul.f32 v57, v27  }
0x17a: {  	[tilespmem:s18+$0x1C020] =	vst v0;
	v62 =	vadd.f32 v3, v58  }
0x17b: {  	s9 =	sadd.s32 s31, s10;
	[tilespmem:s20+$0x1C000] =	vst v59;
	v63 =	vadd.f32 v61, v60  }
0x17c: {  	s9 =	sshrl.u32 s9, $0x3;
	[tilespmem:s20+$0x1C010] =	vst v62  }
0x17d: {  	s11 =	simm.s32 $0x1B200;
	s9 =	sadd.s32 s8, s9;
	[tilespmem:s20+$0x1C020] =	vst v63  }
0x17e: {  	[hbm4b:s9+s3] =	stream.linear.scatter [tilespmem:s11], [sflag:$0x4], $0x80, $0x38;
	[tilespmem:$0x1CE00] =	vst v63  }
0x17f: {  	s12 =	simm.s32 $0x1B300;
	s14 =	sadd.s32 $0x10, s9  }
0x180: {  	[hbm4b:s14+s3] =	stream.linear.scatter [tilespmem:s12], [sflag:$0x4], $0x80, $0x38;
	[tilespmem:$0x1CE00] =	vst v63  }
0x181: {  	s19 =	simm.s32 $0x1B400;
	s18 =	sadd.s32 $0x20, s9  }
0x182: {  	[hbm4b:s18+s3] =	stream.linear.scatter [tilespmem:s19], [sflag:$0x4], $0x80, $0x38;
	[tilespmem:$0x1CE00] =	vst v63  }
0x183: {  	s22 =	simm.s32 $0x1B500;
	s20 =	sadd.s32 $0x30, s9  }
0x184: {  	[hbm4b:s20+s3] =	stream.linear.scatter [tilespmem:s22], [sflag:$0x4], $0x80, $0x38;
	[tilespmem:$0x1CE00] =	vst v63  }
0x185: {  	s24 =	simm.s32 $0x1B600;
	s23 =	sadd.s32 $0x40, s9  }
0x186: {  	[hbm4b:s23+s3] =	stream.linear.scatter [tilespmem:s24], [sflag:$0x4], $0x80, $0x38;
	[tilespmem:$0x1CE00] =	vst v63  }
0x187: {  	s13 =	sadd.s32 $0x50, s9;
	s14 =	simm.s32 $0x1B700  }
0x188: {  	[hbm4b:s13+s3] =	stream.linear.scatter [tilespmem:s14], [sflag:$0x4], $0x80, $0x38;
	[tilespmem:$0x1CE00] =	vst v63  }
0x189: {  	s18 =	sadd.s32 $0x60, s9;
	s19 =	simm.s32 $0x1B800  }
0x18a: {  	[hbm4b:s18+s3] =	stream.linear.scatter [tilespmem:s19], [sflag:$0x4], $0x80, $0x38;
	[tilespmem:$0x1CE00] =	vst v63  }
0x18b: {  	s20 =	sadd.s32 $0x70, s9;
	s22 =	simm.s32 $0x1B900  }
0x18c: {  	[hbm4b:s20+s3] =	stream.linear.scatter [tilespmem:s22], [sflag:$0x4], $0x80, $0x38;
	[tilespmem:$0x1CE00] =	vst v63  }
0x18d: {  	s23 =	sadd.s32 $0x80, s9;
	s24 =	simm.s32 $0x1BA00  }
0x18e: {  	[hbm4b:s23+s3] =	stream.linear.scatter [tilespmem:s24], [sflag:$0x4], $0x80, $0x38;
	[tilespmem:$0x1CE00] =	vst v63  }
0x18f: {  	s12 =	sadd.s32 $0x90, s9;
	s13 =	simm.s32 $0x1BB00  }
0x190: {  	[hbm4b:s12+s3] =	stream.linear.scatter [tilespmem:s13], [sflag:$0x4], $0x80, $0x38;
	[tilespmem:$0x1CE00] =	vst v63  }
0x191: {  	s14 =	sadd.s32 $0xA0, s9;
	s18 =	simm.s32 $0x1BC00  }
0x192: {  	[hbm4b:s14+s3] =	stream.linear.scatter [tilespmem:s18], [sflag:$0x4], $0x80, $0x38;
	[tilespmem:$0x1CE00] =	vst v63  }
0x193: {  	s19 =	sadd.s32 $0xB0, s9;
	s20 =	simm.s32 $0x1BD00  }
0x194: {  	[hbm4b:s19+s3] =	stream.linear.scatter [tilespmem:s20], [sflag:$0x4], $0x80, $0x38;
	[tilespmem:$0x1CE00] =	vst v63  }
0x195: {  	s22 =	sadd.s32 $0xC0, s9;
	s23 =	simm.s32 $0x1BE00  }
0x196: {  	[hbm4b:s22+s3] =	stream.linear.scatter [tilespmem:s23], [sflag:$0x4], $0x80, $0x38;
	[tilespmem:$0x1CE00] =	vst v63  }
0x197: {  	s11 =	sadd.s32 s1, s10;
	s9 =	sadd.s32 $0xD0, s9;
	s24 =	simm.s32 $0x1BF00  }
0x198: {  	[hbm4b:s9+s3] =	stream.linear.scatter [tilespmem:s24], [sflag:$0x4], $0x80, $0x38;
	[tilespmem:$0x1CE00] =	vst v63  }
0x199: {  	s9 =	sshrl.u32 s11, $0x3  }
0x19a: {  	s12 =	simm.s32 $0x1C000;
	s9 =	sadd.s32 s8, s9  }
0x19b: {  	[hbm4b:s9+s3] =	stream.linear.scatter [tilespmem:s12], [sflag:$0x4], $0x80, $0x38;
	[tilespmem:$0x1CE00] =	vst v63  }
0x19c: {  	s14 =	simm.s32 $0x1C100;
	s13 =	sadd.s32 $0x10, s9  }
0x19d: {  	[hbm4b:s13+s3] =	stream.linear.scatter [tilespmem:s14], [sflag:$0x4], $0x80, $0x38;
	[tilespmem:$0x1CE00] =	vst v63  }
0x19e: {  	s19 =	simm.s32 $0x1C200;
	s18 =	sadd.s32 $0x20, s9  }
0x19f: {  	[hbm4b:s18+s3] =	stream.linear.scatter [tilespmem:s19], [sflag:$0x4], $0x80, $0x38;
	[tilespmem:$0x1CE00] =	vst v63  }
0x1a0: {  	s22 =	simm.s32 $0x1C300;
	s20 =	sadd.s32 $0x30, s9  }
0x1a1: {  	[hbm4b:s20+s3] =	stream.linear.scatter [tilespmem:s22], [sflag:$0x4], $0x80, $0x38;
	[tilespmem:$0x1CE00] =	vst v63  }
0x1a2: {  	s24 =	simm.s32 $0x1C400;
	s23 =	sadd.s32 $0x40, s9  }
0x1a3: {  	[hbm4b:s23+s3] =	stream.linear.scatter [tilespmem:s24], [sflag:$0x4], $0x80, $0x38;
	[tilespmem:$0x1CE00] =	vst v63  }
0x1a4: {  	s13 =	sadd.s32 $0x50, s9;
	s14 =	simm.s32 $0x1C500  }
0x1a5: {  	[hbm4b:s13+s3] =	stream.linear.scatter [tilespmem:s14], [sflag:$0x4], $0x80, $0x38;
	[tilespmem:$0x1CE00] =	vst v63  }
0x1a6: {  	s18 =	sadd.s32 $0x60, s9;
	s19 =	simm.s32 $0x1C600  }
0x1a7: {  	[hbm4b:s18+s3] =	stream.linear.scatter [tilespmem:s19], [sflag:$0x4], $0x80, $0x38;
	[tilespmem:$0x1CE00] =	vst v63  }
0x1a8: {  	s20 =	sadd.s32 $0x70, s9;
	s22 =	simm.s32 $0x1C700  }
0x1a9: {  	[hbm4b:s20+s3] =	stream.linear.scatter [tilespmem:s22], [sflag:$0x4], $0x80, $0x38;
	[tilespmem:$0x1CE00] =	vst v63  }
0x1aa: {  	s23 =	sadd.s32 $0x80, s9;
	s24 =	simm.s32 $0x1C800  }
0x1ab: {  	[hbm4b:s23+s3] =	stream.linear.scatter [tilespmem:s24], [sflag:$0x4], $0x80, $0x38;
	[tilespmem:$0x1CE00] =	vst v63  }
0x1ac: {  	s12 =	sadd.s32 $0x90, s9;
	s13 =	simm.s32 $0x1C900  }
0x1ad: {  	[hbm4b:s12+s3] =	stream.linear.scatter [tilespmem:s13], [sflag:$0x4], $0x80, $0x38;
	[tilespmem:$0x1CE00] =	vst v63  }
0x1ae: {  	s14 =	sadd.s32 $0xA0, s9;
	s18 =	simm.s32 $0x1CA00  }
0x1af: {  	[hbm4b:s14+s3] =	stream.linear.scatter [tilespmem:s18], [sflag:$0x4], $0x80, $0x38;
	[tilespmem:$0x1CE00] =	vst v63  }
0x1b0: {  	p1 =	seq.s32 s15, $0xD;
	s19 =	sadd.s32 $0xB0, s9;
	s20 =	simm.s32 $0x1CB00  }
0x1b1: {  	[hbm4b:s19+s3] =	stream.linear.scatter [tilespmem:s20], [sflag:$0x4], $0x80, $0x38;
	[tilespmem:$0x1CE00] =	vst v63  }
.Ltmp1:
0x1b2: {  	_ = 	snop;
	(pc) =	sbr.rel @p1 .LBB2_7-.Ltmp1, $4  }
0x1b3: {  	s22 =	sadd.s32 $0xC0, s9;
	s23 =	simm.s32 $0x1CC00  }
0x1b4: {  	[hbm4b:s22+s3] =	stream.linear.scatter [tilespmem:s23], [sflag:$0x4], $0x80, $0x38;
	[tilespmem:$0x1CE00] =	vst v63  }
0x1b5: {  	s9 =	sadd.s32 $0xD0, s9;
	s24 =	simm.s32 $0x1CD00  }
0x1b6: {  	[hbm4b:s9+s3] =	stream.linear.scatter [tilespmem:s24], [sflag:$0x4], $0x80, $0x38;
	[tilespmem:$0x1CE00] =	vst v63  }
0x1b7: {  	s9 =	rddreg [dreg:$0x7]  }
0x1b8: {  	s9 =	sadd.s32 s10, s9  }
0x1b9: {  	s9 =	sshrl.u32 s9, $0x3  }
0x1ba: {  	s11 =	simm.s32 $0x18800;
	s10 =	sadd.s32 s4, s9  }
0x1bb: {  	[tilespmem:s11], [sflag:$0x2] =	stream.linear.gather [hbm4b:s10+s3], $0x80, $0x38;
	[tilespmem:$0x1CE00] =	vst v63  }
0x1bc: {  	s12 =	simm.s32 $0x18900;
	s14 =	sadd.s32 $0x10, s10  }
0x1bd: {  	[tilespmem:s12], [sflag:$0x2] =	stream.linear.gather [hbm4b:s14+s3], $0x80, $0x38;
	[tilespmem:$0x1CE00] =	vst v63  }
0x1be: {  	s19 =	simm.s32 $0x18A00;
	s18 =	sadd.s32 $0x20, s10  }
0x1bf: {  	[tilespmem:s19], [sflag:$0x2] =	stream.linear.gather [hbm4b:s18+s3], $0x80, $0x38;
	[tilespmem:$0x1CE00] =	vst v63  }
0x1c0: {  	s22 =	simm.s32 $0x18B00;
	s20 =	sadd.s32 $0x30, s10  }
0x1c1: {  	[tilespmem:s22], [sflag:$0x2] =	stream.linear.gather [hbm4b:s20+s3], $0x80, $0x38;
	[tilespmem:$0x1CE00] =	vst v63  }
0x1c2: {  	s24 =	simm.s32 $0x18C00;
	s23 =	sadd.s32 $0x40, s10  }
0x1c3: {  	[tilespmem:s24], [sflag:$0x2] =	stream.linear.gather [hbm4b:s23+s3], $0x80, $0x38;
	[tilespmem:$0x1CE00] =	vst v63  }
0x1c4: {  	s13 =	sadd.s32 $0x50, s10;
	s14 =	simm.s32 $0x18D00  }
0x1c5: {  	[tilespmem:s14], [sflag:$0x2] =	stream.linear.gather [hbm4b:s13+s3], $0x80, $0x38;
	[tilespmem:$0x1CE00] =	vst v63  }
0x1c6: {  	s18 =	sadd.s32 $0x60, s10;
	s19 =	simm.s32 $0x18E00  }
0x1c7: {  	[tilespmem:s19], [sflag:$0x2] =	stream.linear.gather [hbm4b:s18+s3], $0x80, $0x38;
	[tilespmem:$0x1CE00] =	vst v63  }
0x1c8: {  	s20 =	sadd.s32 $0x70, s10;
	s22 =	simm.s32 $0x18F00  }
0x1c9: {  	[tilespmem:s22], [sflag:$0x2] =	stream.linear.gather [hbm4b:s20+s3], $0x80, $0x38;
	[tilespmem:$0x1CE00] =	vst v63  }
0x1ca: {  	s23 =	sadd.s32 $0x80, s10;
	s24 =	simm.s32 $0x19000  }
0x1cb: {  	[tilespmem:s24], [sflag:$0x2] =	stream.linear.gather [hbm4b:s23+s3], $0x80, $0x38;
	[tilespmem:$0x1CE00] =	vst v63  }
0x1cc: {  	s12 =	sadd.s32 $0x90, s10;
	s13 =	simm.s32 $0x19100  }
0x1cd: {  	[tilespmem:s13], [sflag:$0x2] =	stream.linear.gather [hbm4b:s12+s3], $0x80, $0x38;
	[tilespmem:$0x1CE00] =	vst v63  }
0x1ce: {  	s14 =	sadd.s32 $0xA0, s10;
	s18 =	simm.s32 $0x19200  }
0x1cf: {  	[tilespmem:s18], [sflag:$0x2] =	stream.linear.gather [hbm4b:s14+s3], $0x80, $0x38;
	[tilespmem:$0x1CE00] =	vst v63  }
0x1d0: {  	s19 =	sadd.s32 $0xB0, s10;
	s20 =	simm.s32 $0x19300  }
0x1d1: {  	[tilespmem:s20], [sflag:$0x2] =	stream.linear.gather [hbm4b:s19+s3], $0x80, $0x38;
	[tilespmem:$0x1CE00] =	vst v63  }
0x1d2: {  	s22 =	sadd.s32 $0xC0, s10;
	s23 =	simm.s32 $0x19400  }
0x1d3: {  	[tilespmem:s23], [sflag:$0x2] =	stream.linear.gather [hbm4b:s22+s3], $0x80, $0x38;
	[tilespmem:$0x1CE00] =	vst v63  }
0x1d4: {  	s10 =	sadd.s32 $0xD0, s10;
	s24 =	simm.s32 $0x19500  }
0x1d5: {  	[tilespmem:s24], [sflag:$0x2] =	stream.linear.gather [hbm4b:s10+s3], $0x80, $0x38;
	[tilespmem:$0x1CE00] =	vst v63  }
0x1d6: {  	s12 =	simm.s32 $0x19600;
	s10 =	sadd.s32 s5, s9  }
0x1d7: {  	[tilespmem:s12], [sflag:$0x2] =	stream.linear.gather [hbm4b:s10+s3], $0x80, $0x38;
	[tilespmem:$0x1CE00] =	vst v63  }
0x1d8: {  	s14 =	simm.s32 $0x19700;
	s13 =	sadd.s32 $0x10, s10  }
0x1d9: {  	[tilespmem:s14], [sflag:$0x2] =	stream.linear.gather [hbm4b:s13+s3], $0x80, $0x38;
	[tilespmem:$0x1CE00] =	vst v63  }
0x1da: {  	s19 =	simm.s32 $0x19800;
	s18 =	sadd.s32 $0x20, s10  }
0x1db: {  	[tilespmem:s19], [sflag:$0x2] =	stream.linear.gather [hbm4b:s18+s3], $0x80, $0x38;
	[tilespmem:$0x1CE00] =	vst v63  }
0x1dc: {  	s22 =	simm.s32 $0x19900;
	s20 =	sadd.s32 $0x30, s10  }
0x1dd: {  	[tilespmem:s22], [sflag:$0x2] =	stream.linear.gather [hbm4b:s20+s3], $0x80, $0x38;
	[tilespmem:$0x1CE00] =	vst v63  }
0x1de: {  	s24 =	simm.s32 $0x19A00;
	s23 =	sadd.s32 $0x40, s10  }
0x1df: {  	[tilespmem:s24], [sflag:$0x2] =	stream.linear.gather [hbm4b:s23+s3], $0x80, $0x38;
	[tilespmem:$0x1CE00] =	vst v63  }
0x1e0: {  	s13 =	sadd.s32 $0x50, s10;
	s14 =	simm.s32 $0x19B00  }
0x1e1: {  	[tilespmem:s14], [sflag:$0x2] =	stream.linear.gather [hbm4b:s13+s3], $0x80, $0x38;
	[tilespmem:$0x1CE00] =	vst v63  }
0x1e2: {  	s18 =	sadd.s32 $0x60, s10;
	s19 =	simm.s32 $0x19C00  }
0x1e3: {  	[tilespmem:s19], [sflag:$0x2] =	stream.linear.gather [hbm4b:s18+s3], $0x80, $0x38;
	[tilespmem:$0x1CE00] =	vst v63  }
0x1e4: {  	s20 =	sadd.s32 $0x70, s10;
	s22 =	simm.s32 $0x19D00  }
0x1e5: {  	[tilespmem:s22], [sflag:$0x2] =	stream.linear.gather [hbm4b:s20+s3], $0x80, $0x38;
	[tilespmem:$0x1CE00] =	vst v63  }
0x1e6: {  	s23 =	sadd.s32 $0x80, s10;
	s24 =	simm.s32 $0x19E00  }
0x1e7: {  	[tilespmem:s24], [sflag:$0x2] =	stream.linear.gather [hbm4b:s23+s3], $0x80, $0x38;
	[tilespmem:$0x1CE00] =	vst v63  }
0x1e8: {  	s13 =	sadd.s32 $0x90, s10;
	s14 =	simm.s32 $0x19F00  }
0x1e9: {  	[tilespmem:s14], [sflag:$0x2] =	stream.linear.gather [hbm4b:s13+s3], $0x80, $0x38;
	[tilespmem:$0x1CE00] =	vst v63  }
0x1ea: {  	s18 =	sadd.s32 $0xA0, s10;
	s19 =	simm.s32 $0x1A000  }
0x1eb: {  	[tilespmem:s19], [sflag:$0x2] =	stream.linear.gather [hbm4b:s18+s3], $0x80, $0x38;
	[tilespmem:$0x1CE00] =	vst v63  }
0x1ec: {  	s20 =	sadd.s32 $0xB0, s10;
	s22 =	simm.s32 $0x1A100  }
0x1ed: {  	[tilespmem:s22], [sflag:$0x2] =	stream.linear.gather [hbm4b:s20+s3], $0x80, $0x38;
	[tilespmem:$0x1CE00] =	vst v63  }
0x1ee: {  	s23 =	sadd.s32 $0xC0, s10;
	s24 =	simm.s32 $0x1A200  }
0x1ef: {  	[tilespmem:s24], [sflag:$0x2] =	stream.linear.gather [hbm4b:s23+s3], $0x80, $0x38;
	[tilespmem:$0x1CE00] =	vst v63  }
0x1f0: {  	s10 =	sadd.s32 $0xD0, s10;
	s13 =	simm.s32 $0x1A300  }
0x1f1: {  	[tilespmem:s13], [sflag:$0x2] =	stream.linear.gather [hbm4b:s10+s3], $0x80, $0x38;
	[tilespmem:$0x1CE00] =	vst v63  }
0x1f2: {  	s9 =	sadd.s32 s7, s9;
	s14 =	simm.s32 $0x1A400  }
0x1f3: {  	[tilespmem:s14], [sflag:$0x2] =	stream.linear.gather [hbm4b:s9+s3], $0x80, $0x38;
	[tilespmem:$0x1CE00] =	vst v63  }
0x1f4: {  	s18 =	sadd.s32 $0x10, s9;
	s19 =	simm.s32 $0x1A500  }
0x1f5: {  	[tilespmem:s19], [sflag:$0x2] =	stream.linear.gather [hbm4b:s18+s3], $0x80, $0x38;
	[tilespmem:$0x1CE00] =	vst v63  }
0x1f6: {  	s20 =	sadd.s32 $0x20, s9;
	s22 =	simm.s32 $0x1A600  }
0x1f7: {  	[tilespmem:s22], [sflag:$0x2] =	stream.linear.gather [hbm4b:s20+s3], $0x80, $0x38;
	[tilespmem:$0x1CE00] =	vst v63  }
0x1f8: {  	s23 =	sadd.s32 $0x30, s9;
	s24 =	simm.s32 $0x1A700  }
0x1f9: {  	[tilespmem:s24], [sflag:$0x2] =	stream.linear.gather [hbm4b:s23+s3], $0x80, $0x38;
	[tilespmem:$0x1CE00] =	vst v63  }
0x1fa: {  	s11 =	sadd.s32 $0x40, s9;
	s12 =	simm.s32 $0x1A800  }
0x1fb: {  	[tilespmem:s12], [sflag:$0x2] =	stream.linear.gather [hbm4b:s11+s3], $0x80, $0x38;
	[tilespmem:$0x1CE00] =	vst v63  }
0x1fc: {  	s13 =	sadd.s32 $0x50, s9;
	s14 =	simm.s32 $0x1A900  }
0x1fd: {  	[tilespmem:s14], [sflag:$0x2] =	stream.linear.gather [hbm4b:s13+s3], $0x80, $0x38;
	[tilespmem:$0x1CE00] =	vst v63  }
0x1fe: {  	s18 =	sadd.s32 $0x60, s9;
	s19 =	simm.s32 $0x1AA00  }
0x1ff: {  	[tilespmem:s19], [sflag:$0x2] =	stream.linear.gather [hbm4b:s18+s3], $0x80, $0x38;
	[tilespmem:$0x1CE00] =	vst v63  }
0x200: {  	s20 =	sadd.s32 $0x70, s9;
	s22 =	simm.s32 $0x1AB00  }
0x201: {  	[tilespmem:s22], [sflag:$0x2] =	stream.linear.gather [hbm4b:s20+s3], $0x80, $0x38;
	[tilespmem:$0x1CE00] =	vst v63  }
0x202: {  	s23 =	sadd.s32 $0x80, s9;
	s24 =	simm.s32 $0x1AC00  }
0x203: {  	[tilespmem:s24], [sflag:$0x2] =	stream.linear.gather [hbm4b:s23+s3], $0x80, $0x38;
	[tilespmem:$0x1CE00] =	vst v63  }
0x204: {  	s12 =	sadd.s32 $0x90, s9;
	s13 =	simm.s32 $0x1AD00  }
0x205: {  	[tilespmem:s13], [sflag:$0x2] =	stream.linear.gather [hbm4b:s12+s3], $0x80, $0x38;
	[tilespmem:$0x1CE00] =	vst v63  }
0x206: {  	s14 =	sadd.s32 $0xA0, s9;
	s18 =	simm.s32 $0x1AE00  }
0x207: {  	[tilespmem:s18], [sflag:$0x2] =	stream.linear.gather [hbm4b:s14+s3], $0x80, $0x38;
	[tilespmem:$0x1CE00] =	vst v63  }
0x208: {  	s19 =	sadd.s32 $0xB0, s9;
	s20 =	simm.s32 $0x1AF00  }
0x209: {  	[tilespmem:s20], [sflag:$0x2] =	stream.linear.gather [hbm4b:s19+s3], $0x80, $0x38;
	[tilespmem:$0x1CE00] =	vst v63  }
0x20a: {  	s22 =	sadd.s32 $0xC0, s9;
	s23 =	simm.s32 $0x1B000  }
0x20b: {  	[tilespmem:s23], [sflag:$0x2] =	stream.linear.gather [hbm4b:s22+s3], $0x80, $0x38;
	[tilespmem:$0x1CE00] =	vst v63  }
0x20c: {  	s9 =	sadd.s32 $0xD0, s9;
	s24 =	simm.s32 $0x1B100  }
0x20d: {  	[tilespmem:s24], [sflag:$0x2] =	stream.linear.gather [hbm4b:s9+s3], $0x80, $0x38;
	[tilespmem:$0x1CE00] =	vst v63  }
.LBB2_7:
0x20e: {  	_ =	swait.ge [sflag:s21], $0x700  }
0x20f: {  	[sflag:s21] =	ssyncset.done $0x0  }
0x210: {  	[sflag:s21] =	ssyncadd.s32 $0xFFFFF900  }
0x211: {  	_ =	swait.ge [sflag:s21], $0x700  }
0x212: {  	[sflag:s21] =	ssyncset.done $0x0  }
0x213: {  	[sflag:s21] =	ssyncadd.s32 $0xFFFFF900  }
0x214: {  	_ =	swait.ge [sflag:s21], $0x700  }
0x215: {  	[sflag:s21] =	ssyncset.done $0x0  }
0x216: {  	s9 =	simm.s32 @!p0 $0x5;
	[sflag:s21] =	ssyncadd.s32 $0xFFFFF900  }
0x217: {  	_ =	swait.ge @!p0 [sflag:s9], $0x700  }
0x218: {  	p1 =	por $0x0, $0x0;
	s10 =	simm.s32 $0x1;
	[sflag:s9] =	ssyncset.done @!p0 $0x0  }
0x219: {  	s10 =	simm.s32 @!p1 $0x0;
	[sflag:s9] =	ssyncadd.s32 @!p0 $0xFFFFF900  }
0x21a: {  	s10 =	sshll.u32 s10, $0x6;
	_ =	swait.ge @!p0 [sflag:s9], $0x700  }
0x21b: {  	s10 =	sadd.s32 $0x0, s10;
	[sflag:s9] =	ssyncset.done @!p0 $0x0  }
0x21c: {  	s19 =	sor.u32 $0xB0, s10;
	[sflag:s9] =	ssyncadd.s32 @!p0 $0xFFFFF900  }
0x21d: {  	s11 =	sor.u32 $0x80, s10;
	v2 =	vld [tilespmem:s19+$0x18800]  }
0x21e: {  	s18 =	sor.u32 $0x90, s10;
	v3 =	vld [tilespmem:s11+$0x18800]  }
0x21f: {  	s10 =	sor.u32 $0xA0, s10;
	v4 =	vld [tilespmem:s18+$0x18800]  }
0x220: {  	v28 =	vld [tilespmem:s10+$0x18800]  }
0x221: {  	v17 =	vld [tilespmem:s11+$0x19600]  }
0x222: {  	p0 =	por !p1, !p1;
	s9 =	simm.s32 $0x1;
	v26 =	vld [tilespmem:s18+$0x19600]  }
0x223: {  	v0 =	vld [tilespmem:s10+$0x19600];
	s9 =	simm.s32 @!p0 $0x0  }
0x224: {  	v15 =	vld [tilespmem:s11+$0x1A400];
	s9 =	sshll.u32 s9, $0x6  }
0x225: {  	v11 =	vld [tilespmem:s19+$0x19600];
	s12 =	sadd.s32 $0x80, s9  }
0x226: {  	v21 =	vld [tilespmem:s19+$0x1A400];
	s9 =	sor.u32 $0xB0, s12;
	v5 =	vadd.s32 $0x1, v2  }
0x227: {  	v46 =	vld [tilespmem:s9+$0x18800];
	v6 =	vadd.s32 $0xE0, v2  }
0x228: {  	v7 =	vadd.s32 $0xE1, v2;
	v1 =	vld.idx.msk [tilespmem:v2+s3+$0x0], $0xffff  }
0x229: {  	v8 =	vadd.s32 $0x1, v3;
	v24 =	vld.idx.msk [tilespmem:v3+s3+$0x0], $0xffff  }
0x22a: {  	v9 =	vadd.s32 $0xE0, v3;
	v37 =	vld.idx.msk [tilespmem:v4+s3+$0x0], $0xffff  }
0x22b: {  	v12 =	vadd.s32 $0xE1, v3;
	v10 =	vld.idx.msk [tilespmem:v5+s3+$0x0], $0xffff  }
0x22c: {  	v14 =	vadd.s32 $0x1, v4;
	v13 =	vld.idx.msk [tilespmem:v6+s3+$0x0], $0xffff  }
0x22d: {  	v36 =	vadd.s32 $0xE0, v4;
	v16 =	vld.idx.msk [tilespmem:v7+s3+$0x0], $0xffff  }
0x22e: {  	v33 =	vadd.s32 $0xE0, v28;
	v18 =	vld.idx.msk [tilespmem:v8+s3+$0x0], $0xffff  }
0x22f: {  	v19 =	vld.idx.msk [tilespmem:v9+s3+$0x0], $0xffff  }
0x230: {  	v22 =	vsub.f32 $1.000000000e+00, v11;
	v47 =	vadd.s32 $0x1, v46;
	v20 =	vld.idx.msk [tilespmem:v12+s3+$0x0], $0xffff  }
0x231: {  	v35 =	vadd.s32 $0xE1, v4;
	v23 =	vld.idx.msk [tilespmem:v14+s3+$0x0], $0xffff  }
0x232: {  	v49 =	vadd.s32 $0xE1, v46;
	v27 =	vld.idx.msk [tilespmem:v36+s3+$0x0], $0xffff;
	v1 =	vmul.f32 v1, v22;
	v10 =	vmul.f32 v10, v11  }
0x233: {  	v30 =	vadd.s32 $0x1, v28;
	v39 =	vld.idx.msk [tilespmem:v33+s3+$0x0], $0xffff;
	v13 =	vmul.f32 v13, v22;
	v16 =	vmul.f32 v16, v11  }
0x234: {  	v25 =	vsub.f32 $1.000000000e+00, v17;
	v29 =	vsub.f32 $1.000000000e+00, v21;
	v34 =	vadd.s32 $0xE1, v28;
	v51 =	vld.idx.msk [tilespmem:v46+s3+$0x0], $0xffff  }
0x235: {  	v53 =	vld.idx.msk [tilespmem:v47+s3+$0x0], $0xffff;
	v1 =	vadd.f32 v10, v1;
	v13 =	vadd.f32 v16, v13  }
0x236: {  	v19 =	vmul.f32 v19, v25;
	v20 =	vmul.f32 v20, v17;
	v10 =	vld.idx.msk [tilespmem:v35+s3+$0x0], $0xffff  }
0x237: {  	v55 =	vld.idx.msk [tilespmem:v49+s3+$0x0], $0xffff;
	v32 =	vmul.f32 v1, v29;
	v13 =	vmul.f32 v13, v21  }
0x238: {  	v31 =	vsub.f32 $1.000000000e+00, v26;
	v24 =	vmul.f32 v24, v25;
	v18 =	vmul.f32 v18, v17;
	v16 =	vld.idx.msk [tilespmem:v30+s3+$0x0], $0xffff  }
0x239: {  	v19 =	vadd.f32 v20, v19;
	v20 =	vld.idx.msk [tilespmem:v34+s3+$0x0], $0xffff;
	v13 =	vadd.f32 v13, v32  }
0x23a: {  	v18 =	vadd.f32 v18, v24;
	v24 =	vld.idx.msk [tilespmem:v28+s3+$0x0], $0xffff  }
0x23b: {  	v27 =	vmul.f32 v27, v31;
	v1 =	vld [tilespmem:s18+$0x1A400];
	v10 =	vmul.f32 v10, v26;
	[tilespmem:s19+$0x1B200] =	vst v13  }
0x23c: {  	v38 =	vsub.f32 $1.000000000e+00, v15;
	v13 =	vmul.f32 v19, v15;
	v19 =	vld.idx.msk [tilespmem:v2+s16+$0x0], $0xffff  }
0x23d: {  	v10 =	vadd.f32 v10, v27;
	v27 =	vld.idx.msk [tilespmem:v5+s16+$0x0], $0xffff  }
0x23e: {  	s24 =	sor.u32 $0x80, s12;
	v18 =	vmul.f32 v18, v38;
	v59 =	vld.idx.msk [tilespmem:v6+s16+$0x0], $0xffff  }
0x23f: {  	v23 =	vmul.f32 v23, v26;
	v2 =	vmul.f32 v37, v31;
	v37 =	vld [tilespmem:s24+$0x18800]  }
0x240: {  	v6 =	vadd.f32 v13, v18;
	v13 =	vld.idx.msk [tilespmem:v7+s16+$0x0], $0xffff  }
0x241: {  	s20 =	sor.u32 $0xA0, s12;
	v5 =	vadd.f32 v23, v2;
	v2 =	vld [tilespmem:s10+$0x1A400]  }
0x242: {  	[tilespmem:s11+$0x1B200] =	vst v6;
	v6 =	vld [tilespmem:s20+$0x18800]  }
0x243: {  	v23 =	vld.idx.msk [tilespmem:v3+s16+$0x0], $0xffff  }
0x244: {  	v40 =	vsub.f32 $1.000000000e+00, v1;
	v41 =	vld.idx.msk [tilespmem:v8+s16+$0x0], $0xffff  }
0x245: {  	v42 =	vld.idx.msk [tilespmem:v9+s16+$0x0], $0xffff  }
0x246: {  	v48 =	vadd.s32 $0xE0, v46;
	v7 =	vmul.f32 v10, v1;
	v5 =	vmul.f32 v5, v40;
	v43 =	vld.idx.msk [tilespmem:v12+s16+$0x0], $0xffff  }
0x247: {  	v9 =	vsub.f32 $1.000000000e+00, v0;
	v8 =	vld [tilespmem:s20+$0x19600]  }
0x248: {  	v3 =	vadd.f32 v7, v5;
	v5 =	vld [tilespmem:s24+$0x19600]  }
0x249: {  	s22 =	sor.u32 $0x90, s12;
	v10 =	vmul.f32 v20, v0;
	v7 =	vmul.f32 v39, v9;
	v39 =	vld [tilespmem:s9+$0x19600]  }
0x24a: {  	v12 =	vmul.f32 v16, v0;
	v50 =	vadd.s32 $0x1, v37;
	[tilespmem:s18+$0x1B200] =	vst v3;
	v3 =	vld [tilespmem:s22+$0x19600]  }
0x24b: {  	v52 =	vadd.f32 v10, v7;
	v10 =	vmul.f32 v19, v22;
	v19 =	vmul.f32 v27, v11;
	v27 =	vld.idx.msk [tilespmem:v48+s3+$0x0], $0xffff  }
0x24c: {  	v18 =	vadd.s32 $0xE0, v37;
	v60 =	vmul.f32 v13, v11;
	v7 =	vmul.f32 v24, v9;
	v24 =	vld [tilespmem:s9+$0x1A400]  }
0x24d: {  	v20 =	vadd.s32 $0xE1, v37;
	v22 =	vmul.f32 v59, v22;
	v44 =	vld.idx.msk [tilespmem:v4+s16+$0x0], $0xffff;
	v23 =	vmul.f32 v23, v25  }
0x24e: {  	v13 =	vadd.s32 $0xE0, v6;
	v45 =	vld.idx.msk [tilespmem:v14+s16+$0x0], $0xffff;
	v25 =	vmul.f32 v42, v25;
	v41 =	vmul.f32 v41, v17  }
0x24f: {  	v14 =	vld [tilespmem:s22+$0x18800];
	v17 =	vmul.f32 v43, v17;
	v54 =	vadd.f32 v12, v7;
	v7 =	vsub.f32 $1.000000000e+00, v2  }
0x250: {  	v4 =	vld [tilespmem:s24+$0x1A400];
	v12 =	vadd.f32 v19, v10;
	v52 =	vmul.f32 v52, v2;
	v19 =	vadd.s32 $0xE1, v6  }
0x251: {  	v56 =	vld.idx.msk [tilespmem:v50+s3+$0x0], $0xffff;
	v22 =	vadd.f32 v60, v22;
	v58 =	vsub.f32 $1.000000000e+00, v39;
	v53 =	vmul.f32 v53, v39  }
0x252: {  	v57 =	vld.idx.msk [tilespmem:v18+s3+$0x0], $0xffff;
	v29 =	vmul.f32 v12, v29;
	v12 =	vadd.s32 $0x1, v6;
	v54 =	vmul.f32 v54, v7  }
0x253: {  	v42 =	vld.idx.msk [tilespmem:v20+s3+$0x0], $0xffff;
	v55 =	vmul.f32 v55, v39;
	v23 =	vadd.f32 v41, v23;
	v62 =	vmul.f32 v22, v21  }
0x254: {  	v52 =	vadd.f32 v52, v54;
	v44 =	vmul.f32 v44, v31;
	v45 =	vmul.f32 v45, v26;
	v54 =	vld.idx.msk [tilespmem:v13+s3+$0x0], $0xffff  }
0x255: {  	v21 =	vadd.f32 v17, v25;
	v51 =	vmul.f32 v51, v58;
	v10 =	vadd.s32 $0xE0, v14;
	v41 =	vld.idx.msk [tilespmem:v19+s3+$0x0], $0xffff  }
0x256: {  	v27 =	vmul.f32 v27, v58;
	v11 =	vadd.s32 $0xE1, v14;
	v25 =	vadd.f32 v45, v44;
	v44 =	vld.idx.msk [tilespmem:v37+s3+$0x0], $0xffff  }
0x257: {  	v32 =	vsub.f32 $1.000000000e+00, v24;
	v43 =	vld.idx.msk [tilespmem:v12+s3+$0x0], $0xffff  }
0x258: {  	v16 =	vadd.s32 $0x1, v14;
	v51 =	vadd.f32 v53, v51;
	v27 =	vadd.f32 v55, v27;
	v63 =	vld.idx.msk [tilespmem:v14+s3+$0x0], $0xffff  }
0x259: {  	v17 =	vsub.f32 $1.000000000e+00, v5;
	v15 =	vmul.f32 v21, v15;
	v21 =	vmul.f32 v25, v40;
	v40 =	vld.idx.msk [tilespmem:v6+s3+$0x0], $0xffff  }
0x25a: {  	v51 =	vmul.f32 v51, v32;
	v27 =	vmul.f32 v27, v24;
	v60 =	vld.idx.msk [tilespmem:v10+s3+$0x0], $0xffff  }
0x25b: {  	v42 =	vmul.f32 v42, v5;
	v25 =	vadd.f32 v62, v29;
	v29 =	vmul.f32 v57, v17;
	v61 =	vld.idx.msk [tilespmem:v11+s3+$0x0], $0xffff  }
0x25c: {  	v23 =	vmul.f32 v23, v38;
	v57 =	vld.idx.msk [tilespmem:v35+s16+$0x0], $0xffff;
	v27 =	vadd.f32 v27, v51  }
0x25d: {  	v22 =	vsub.f32 $1.000000000e+00, v3;
	v59 =	vld.idx.msk [tilespmem:v16+s3+$0x0], $0xffff;
	v42 =	vadd.f32 v42, v29;
	v29 =	vmul.f32 v56, v5  }
0x25e: {  	v45 =	vadd.f32 v15, v23;
	v41 =	vmul.f32 v41, v8;
	[tilespmem:s9+$0x1B200] =	vst v27;
	v27 =	vld [tilespmem:s22+$0x1A400];
	v44 =	vmul.f32 v44, v17  }
0x25f: {  	v23 =	vsub.f32 $1.000000000e+00, v8;
	v46 =	vld.idx.msk [tilespmem:v46+s16+$0x0], $0xffff;
	v43 =	vmul.f32 v43, v8;
	v38 =	vmul.f32 v63, v22  }
0x260: {  	v47 =	vld.idx.msk [tilespmem:v47+s16+$0x0], $0xffff;
	v15 =	vmul.f32 v60, v22;
	v61 =	vmul.f32 v61, v3  }
0x261: {  	v49 =	vld.idx.msk [tilespmem:v49+s16+$0x0], $0xffff;
	v63 =	vmul.f32 v54, v23;
	v42 =	vmul.f32 v42, v4;
	v44 =	vadd.f32 v29, v44  }
0x262: {  	v29 =	vld [tilespmem:s20+$0x1A400];
	v62 =	vmul.f32 v59, v3;
	v51 =	vadd.f32 v61, v15;
	v15 =	vsub.f32 $1.000000000e+00, v4  }
0x263: {  	[tilespmem:s10+$0x1B200] =	vst v52;
	v48 =	vld.idx.msk [tilespmem:v48+s16+$0x0], $0xffff;
	v40 =	vmul.f32 v40, v23;
	v26 =	vmul.f32 v57, v26  }
0x264: {  	v34 =	vld.idx.msk [tilespmem:v34+s16+$0x0], $0xffff;
	[tilespmem:s19+$0x1C000] =	vst v25;
	v25 =	vsub.f32 $1.000000000e+00, v27;
	v38 =	vadd.f32 v62, v38;
	v44 =	vmul.f32 v44, v15  }
0x265: {  	v56 =	vld.idx.msk [tilespmem:v36+s16+$0x0], $0xffff;
	v41 =	vadd.f32 v41, v63;
	v43 =	vadd.f32 v43, v40;
	v60 =	vmul.f32 v46, v58  }
0x266: {  	v36 =	vld.idx.msk [tilespmem:v28+s16+$0x0], $0xffff;
	v51 =	vmul.f32 v51, v27;
	v59 =	vmul.f32 v38, v25;
	v28 =	vadd.f32 v42, v44  }
0x267: {  	[tilespmem:s11+$0x1C000] =	vst v45;
	v61 =	vmul.f32 v47, v39;
	v63 =	vmul.f32 v49, v39;
	v39 =	vld.idx.msk [tilespmem:v33+s16+$0x0], $0xffff;
	v35 =	vsub.f32 $1.000000000e+00, v29  }
0x268: {  	v62 =	vmul.f32 v48, v58;
	v38 =	vld.idx.msk [tilespmem:v30+s16+$0x0], $0xffff;
	[tilespmem:s24+$0x1B200] =	vst v28;
	v28 =	vadd.f32 v51, v59  }
0x269: {  	v40 =	vmul.f32 v41, v29;
	v41 =	vadd.f32 v61, v60;
	v42 =	vmul.f32 v43, v35;
	v30 =	vld.idx.msk [tilespmem:v37+s16+$0x0], $0xffff  }
0x26a: {  	p0 =	por !p0, !p0;
	s11 =	simm.s32 $0x4;
	s19 =	simm.s32 $0x80;
	v37 =	vadd.f32 v63, v62;
	v33 =	vld.idx.msk [tilespmem:v50+s16+$0x0], $0xffff;
	[tilespmem:s22+$0x1B200] =	vst v28;
	v28 =	vmul.f32 v56, v31  }
.LBB2_8:
0x26b: {  	s12 =	simm.s32 $0x1  }
0x26c: {  	v18 =	vld.idx.msk [tilespmem:v18+s16+$0x0], $0xffff;
	v31 =	vadd.f32 v40, v42;
	v32 =	vmul.f32 v41, v32;
	v24 =	vmul.f32 v37, v24;
	s12 =	simm.s32 @!p0 $0x0  }
0x26d: {  	s19 =	sadd.s32 $0x80, s19;
	v36 =	vmul.f32 v36, v9;
	v37 =	vmul.f32 v38, v0;
	v40 =	vadd.f32 v26, v28;
	s12 =	sshll.u32 s12, $0x6;
	v20 =	vld.idx.msk [tilespmem:v20+s16+$0x0], $0xffff  }
0x26e: {  	v26 =	vmov v19;
	s13 =	sadd.s32 s12, s19;
	v38 =	vld.idx.msk [tilespmem:v14+s16+$0x0], $0xffff;
	[tilespmem:s20+$0x1B200] =	vst v31;
	v14 =	vadd.f32 v24, v32;
	v24 =	vmul.f32 v39, v9  }
0x26f: {  	v19 =	vmul.f32 v40, v1;
	v31 =	vadd.f32 v37, v36;
	v32 =	vmul.f32 v34, v0;
	s12 =	sor.u32 $0x80, s13;
	s14 =	sor.u32 $0x90, s13;
	s23 =	sor.u32 $0xB0, s13;
	v16 =	vld.idx.msk [tilespmem:v16+s16+$0x0], $0xffff  }
0x270: {  	v28 =	vmovc v22;
	v37 =	vmul.f32 v30, v17;
	v0 =	vmovc v8;
	v9 =	vmov v23;
	v1 =	vmov v27;
	s13 =	sor.u32 $0xA0, s13;
	v36 =	vld [tilespmem:s23+$0x18800];
	[tilespmem:s9+$0x1C000] =	vst v14;
	s9 =	smov.u32 s23  }
0x271: {  	s11 =	sadd.s32 $0x4, s11;
	v8 =	vmul.f32 v33, v5;
	v22 =	vadd.f32 v32, v24;
	v24 =	vmul.f32 v31, v7;
	v7 =	vmovc v35;
	v30 =	vld [tilespmem:s12+$0x18800]  }
0x272: {  	p1 =	slt.u32 s11, $0x6C;
	v17 =	vmul.f32 v18, v17;
	v18 =	vadd.f32 v19, v21;
	v14 =	vld [tilespmem:s14+$0x18800]  }
0x273: {  	v21 =	vadd.f32 v8, v37;
	v8 =	vmul.f32 v20, v5;
	v27 =	vmul.f32 v22, v2;
	v2 =	vmovc v29;
	v34 =	vld [tilespmem:s13+$0x18800]  }
0x274: {  	v23 =	vmul.f32 v38, v28;
	v5 =	vld [tilespmem:s12+$0x19600];
	[tilespmem:s18+$0x1C000] =	vst v18;
	s18 =	smov.u32 s22;
	s22 =	smov.u32 s14  }
0x275: {  	v32 =	vadd.f32 v8, v17;
	v35 =	vmul.f32 v16, v3;
	v31 =	vld [tilespmem:s22+$0x19600];
	v29 =	vadd.s32 $0x1, v36  }
0x276: {  	v37 =	vadd.s32 $0xE0, v36;
	v33 =	vadd.s32 $0x1, v30;
	v18 =	vadd.s32 $0xE0, v30;
	v8 =	vld [tilespmem:s13+$0x19600]  }
0x277: {  	v39 =	vadd.s32 $0xE1, v36;
	v20 =	vadd.s32 $0xE1, v30;
	v38 =	vld [tilespmem:s12+$0x1A400];
	v16 =	vadd.s32 $0x1, v14  }
0x278: {  	v40 =	vadd.s32 $0xE0, v14;
	v41 =	vadd.s32 $0xE1, v14;
	v42 =	vadd.s32 $0x1, v34;
	v43 =	vld [tilespmem:s9+$0x19600]  }
0x279: {  	v44 =	vadd.s32 $0xE0, v34;
	v19 =	vadd.s32 $0xE1, v34;
	v17 =	vsub.f32 $1.000000000e+00, v5;
	v45 =	vld.idx.msk [tilespmem:v36+s3+$0x0], $0xffff  }
0x27a: {  	v47 =	vmul.f32 v21, v15;
	v21 =	vadd.f32 v35, v23;
	v22 =	vsub.f32 $1.000000000e+00, v31;
	v46 =	vld.idx.msk [tilespmem:v29+s3+$0x0], $0xffff  }
0x27b: {  	v24 =	vadd.f32 v27, v24;
	v32 =	vmul.f32 v32, v4;
	v23 =	vsub.f32 $1.000000000e+00, v8;
	v35 =	vld.idx.msk [tilespmem:v37+s3+$0x0], $0xffff  }
0x27c: {  	v21 =	vmul.f32 v21, v25;
	v15 =	vsub.f32 $1.000000000e+00, v38;
	v27 =	vld.idx.msk [tilespmem:v39+s3+$0x0], $0xffff;
	v4 =	vmov v38  }
0x27d: {  	v32 =	vadd.f32 v32, v47;
	v25 =	vld.idx.msk [tilespmem:v33+s3+$0x0], $0xffff;
	[tilespmem:s10+$0x1C000] =	vst v24;
	s10 =	smov.u32 s20;
	s20 =	smov.u32 s13  }
0x27e: {  	v24 =	vld [tilespmem:s9+$0x1A400]  }
0x27f: {  	v47 =	vsub.f32 $1.000000000e+00, v43;
	v38 =	vld.idx.msk [tilespmem:v18+s3+$0x0], $0xffff;
	[tilespmem:s24+$0x1C000] =	vst v32;
	s24 =	smov.u32 s12  }
0x280: {  	v48 =	vld.idx.msk [tilespmem:v20+s3+$0x0], $0xffff  }
0x281: {  	v45 =	vmul.f32 v45, v47;
	v46 =	vmul.f32 v46, v43;
	v49 =	vld.idx.msk [tilespmem:v16+s3+$0x0], $0xffff  }
0x282: {  	v35 =	vmul.f32 v35, v47;
	v27 =	vmul.f32 v27, v43;
	v50 =	vld.idx.msk [tilespmem:v40+s3+$0x0], $0xffff  }
0x283: {  	v25 =	vmul.f32 v25, v5;
	v51 =	vld.idx.msk [tilespmem:v41+s3+$0x0], $0xffff;
	v32 =	vsub.f32 $1.000000000e+00, v24  }
0x284: {  	v45 =	vadd.f32 v46, v45;
	v27 =	vadd.f32 v27, v35;
	v52 =	vld.idx.msk [tilespmem:v42+s3+$0x0], $0xffff  }
0x285: {  	v35 =	vmul.f32 v38, v17;
	v38 =	vld.idx.msk [tilespmem:v44+s3+$0x0], $0xffff  }
0x286: {  	v45 =	vmul.f32 v45, v32;
	v27 =	vmul.f32 v27, v24;
	v46 =	vld.idx.msk [tilespmem:v19+s3+$0x0], $0xffff  }
0x287: {  	v48 =	vmul.f32 v48, v5;
	v49 =	vmul.f32 v49, v31;
	v53 =	vld.idx.msk [tilespmem:v30+s3+$0x0], $0xffff  }
0x288: {  	v50 =	vmul.f32 v50, v22;
	v45 =	vadd.f32 v27, v45;
	v54 =	vld.idx.msk [tilespmem:v14+s3+$0x0], $0xffff  }
0x289: {  	v35 =	vadd.f32 v48, v35;
	v48 =	vmul.f32 v51, v31;
	v51 =	vld.idx.msk [tilespmem:v34+s3+$0x0], $0xffff  }
0x28a: {  	v52 =	vmul.f32 v52, v8;
	v27 =	vld [tilespmem:s22+$0x1A400];
	[tilespmem:s9+$0x1B200] =	vst v45  }
0x28b: {  	v35 =	vmul.f32 v35, v4;
	v45 =	vadd.f32 v48, v50;
	v38 =	vmul.f32 v38, v23;
	v48 =	vld.idx.msk [tilespmem:v36+s16+$0x0], $0xffff  }
0x28c: {  	v36 =	vmul.f32 v46, v8;
	v46 =	vld.idx.msk [tilespmem:v29+s16+$0x0], $0xffff  }
0x28d: {  	v29 =	vmul.f32 v53, v17;
	v37 =	vld.idx.msk [tilespmem:v37+s16+$0x0], $0xffff  }
0x28e: {  	v50 =	vmul.f32 v54, v22;
	v53 =	vadd.f32 v36, v38;
	v39 =	vld.idx.msk [tilespmem:v39+s16+$0x0], $0xffff  }
0x28f: {  	v36 =	vadd.f32 v25, v29;
	v38 =	vmul.f32 v51, v23;
	v25 =	vsub.f32 $1.000000000e+00, v27;
	v29 =	vld [tilespmem:s20+$0x1A400]  }
0x290: {  	v49 =	vadd.f32 v49, v50;
	v45 =	vmul.f32 v45, v27;
	v50 =	vld.idx.msk [tilespmem:v10+s16+$0x0], $0xffff;
	v10 =	vmov v40  }
0x291: {  	v40 =	vmul.f32 v36, v15;
	v51 =	vadd.f32 v52, v38;
	v52 =	vld.idx.msk [tilespmem:v11+s16+$0x0], $0xffff;
	v11 =	vmov v41  }
0x292: {  	v41 =	vmul.f32 v49, v25;
	v36 =	vld.idx.msk [tilespmem:v6+s16+$0x0], $0xffff;
	v6 =	vmov v34  }
.Ltmp2:
0x293: {  	v48 =	vmul.f32 v48, v47;
	v46 =	vmul.f32 v46, v43;
	v34 =	vadd.f32 v35, v40;
	v38 =	vld.idx.msk [tilespmem:v12+s16+$0x0], $0xffff;
	(pc) =	sbr.rel @p1 .LBB2_8-.Ltmp2, $4  }
0x294: {  	v37 =	vmul.f32 v37, v47;
	v43 =	vmul.f32 v39, v43;
	v12 =	vmovc v42;
	v35 =	vsub.f32 $1.000000000e+00, v29;
	v39 =	vld.idx.msk [tilespmem:v13+s16+$0x0], $0xffff  }
0x295: {  	v45 =	vadd.f32 v45, v41;
	v40 =	vmul.f32 v53, v29;
	v13 =	vmov v44;
	[tilespmem:s24+$0x1B200] =	vst v34;
	v34 =	vld.idx.msk [tilespmem:v26+s16+$0x0], $0xffff  }
0x296: {  	v41 =	vadd.f32 v46, v48;
	v37 =	vadd.f32 v43, v37;
	v30 =	vld.idx.msk [tilespmem:v30+s16+$0x0], $0xffff;
	v42 =	vmul.f32 v51, v35  }
0x297: {  	p0 =	por !p0, !p0;
	v28 =	vmul.f32 v50, v28;
	v26 =	vmul.f32 v52, v3;
	v3 =	vmov v31;
	v33 =	vld.idx.msk [tilespmem:v33+s16+$0x0], $0xffff;
	[tilespmem:s22+$0x1B200] =	vst v45  }
0x298: {  	_ =	sdelay $0x3  }
0x299: {  	v18 =	vld.idx.msk [tilespmem:v18+s16+$0x0], $0xffff  }
0x29a: {  	v20 =	vld.idx.msk [tilespmem:v20+s16+$0x0], $0xffff  }
0x29b: {  	v14 =	vld.idx.msk [tilespmem:v14+s16+$0x0], $0xffff  }
0x29c: {  	v31 =	vadd.f32 v40, v42;
	v16 =	vld.idx.msk [tilespmem:v16+s16+$0x0], $0xffff  }
0x29d: {  	v32 =	vmul.f32 v41, v32;
	v10 =	vld.idx.msk [tilespmem:v10+s16+$0x0], $0xffff;
	v40 =	vmul.f32 v36, v9  }
0x29e: {  	v41 =	vmul.f32 v38, v0;
	v11 =	vld.idx.msk [tilespmem:v11+s16+$0x0], $0xffff;
	v26 =	vadd.f32 v26, v28;
	[tilespmem:s20+$0x1B200] =	vst v31  }
0x29f: {  	v24 =	vmul.f32 v37, v24;
	v42 =	vmul.f32 v39, v9;
	v6 =	vld.idx.msk [tilespmem:v6+s16+$0x0], $0xffff  }
0x2a0: {  	v43 =	vmul.f32 v34, v0;
	v44 =	vadd.f32 v41, v40;
	v1 =	vmul.f32 v26, v1;
	v12 =	vld.idx.msk [tilespmem:v12+s16+$0x0], $0xffff  }
0x2a1: {  	v45 =	vmul.f32 v30, v17;
	v47 =	vld.idx.msk [tilespmem:v13+s16+$0x0], $0xffff;
	v46 =	vmul.f32 v33, v5  }
0x2a2: {  	v49 =	vld.idx.msk [tilespmem:v19+s16+$0x0], $0xffff;
	v7 =	vmul.f32 v44, v7;
	v48 =	vmul.f32 v18, v17  }
0x2a3: {  	v0 =	vadd.f32 v43, v42;
	v50 =	vmul.f32 v20, v5;
	v14 =	vmul.f32 v14, v22  }
0x2a4: {  	v51 =	vadd.f32 v24, v32;
	v16 =	vmul.f32 v16, v3;
	v10 =	vmul.f32 v10, v22  }
0x2a5: {  	v1 =	vadd.f32 v1, v21;
	v52 =	vmul.f32 v11, v3;
	v0 =	vmul.f32 v0, v2  }
0x2a6: {  	v53 =	vadd.f32 v46, v45;
	v6 =	vmul.f32 v6, v23;
	v12 =	vmul.f32 v12, v8  }
0x2a7: {  	v5 =	vadd.f32 v50, v48;
	v9 =	vmul.f32 v47, v23;
	v54 =	vmul.f32 v49, v8  }
0x2a8: {  	v55 =	vadd.f32 v16, v14;
	v3 =	vadd.f32 v52, v10;
	v11 =	vmul.f32 v53, v15  }
0x2a9: {  	v4 =	vmul.f32 v5, v4;
	v56 =	vadd.f32 v12, v6;
	v57 =	vadd.f32 v54, v9  }
0x2aa: {  	[tilespmem:s9+$0x1C000] =	vst v51;
	v0 =	vadd.f32 v0, v7;
	v58 =	vmul.f32 v55, v25;
	v3 =	vmul.f32 v3, v27  }
0x2ab: {  	[tilespmem:s18+$0x1C000] =	vst v1;
	v59 =	vadd.f32 v4, v11;
	v60 =	vmul.f32 v56, v35;
	v61 =	vmul.f32 v57, v29  }
0x2ac: {  	[tilespmem:s10+$0x1C000] =	vst v0;
	v62 =	vadd.f32 v3, v58  }
0x2ad: {  	s14 =	sadd.s32 s31, s2;
	[tilespmem:s24+$0x1C000] =	vst v59;
	v63 =	vadd.f32 v61, v60  }
0x2ae: {  	s9 =	sshrl.u32 s14, $0x3;
	[tilespmem:s22+$0x1C000] =	vst v62  }
0x2af: {  	s9 =	sadd.s32 s8, s9;
	s18 =	simm.s32 $0x1B280;
	[tilespmem:s20+$0x1C000] =	vst v63  }
0x2b0: {  	[hbm4b:s9+s3] =	stream.linear.scatter [tilespmem:s18], [sflag:$0x5], $0x80, $0x38;
	[tilespmem:$0x1CE00] =	vst v63  }
0x2b1: {  	s11 =	simm.s32 $0x1B380;
	s19 =	sadd.s32 $0x10, s9  }
0x2b2: {  	[hbm4b:s19+s3] =	stream.linear.scatter [tilespmem:s11], [sflag:$0x5], $0x80, $0x38;
	[tilespmem:$0x1CE00] =	vst v63  }
0x2b3: {  	s22 =	simm.s32 $0x1B480;
	s20 =	sadd.s32 $0x20, s9  }
0x2b4: {  	[hbm4b:s20+s3] =	stream.linear.scatter [tilespmem:s22], [sflag:$0x5], $0x80, $0x38;
	[tilespmem:$0x1CE00] =	vst v63  }
0x2b5: {  	s23 =	sadd.s32 $0x30, s9;
	s24 =	simm.s32 $0x1B580  }
0x2b6: {  	[hbm4b:s23+s3] =	stream.linear.scatter [tilespmem:s24], [sflag:$0x5], $0x80, $0x38;
	[tilespmem:$0x1CE00] =	vst v63  }
0x2b7: {  	s12 =	simm.s32 $0x1B680;
	s11 =	sadd.s32 $0x40, s9  }
0x2b8: {  	[hbm4b:s11+s3] =	stream.linear.scatter [tilespmem:s12], [sflag:$0x5], $0x80, $0x38;
	[tilespmem:$0x1CE00] =	vst v63  }
0x2b9: {  	s14 =	simm.s32 $0x1B780;
	s13 =	sadd.s32 $0x50, s9  }
0x2ba: {  	[hbm4b:s13+s3] =	stream.linear.scatter [tilespmem:s14], [sflag:$0x5], $0x80, $0x38;
	[tilespmem:$0x1CE00] =	vst v63  }
0x2bb: {  	s18 =	sadd.s32 $0x60, s9;
	s19 =	simm.s32 $0x1B880  }
0x2bc: {  	[hbm4b:s18+s3] =	stream.linear.scatter [tilespmem:s19], [sflag:$0x5], $0x80, $0x38;
	[tilespmem:$0x1CE00] =	vst v63  }
0x2bd: {  	s20 =	sadd.s32 $0x70, s9;
	s22 =	simm.s32 $0x1B980  }
0x2be: {  	[hbm4b:s20+s3] =	stream.linear.scatter [tilespmem:s22], [sflag:$0x5], $0x80, $0x38;
	[tilespmem:$0x1CE00] =	vst v63  }
0x2bf: {  	s23 =	sadd.s32 $0x80, s9;
	s24 =	simm.s32 $0x1BA80  }
0x2c0: {  	[hbm4b:s23+s3] =	stream.linear.scatter [tilespmem:s24], [sflag:$0x5], $0x80, $0x38;
	[tilespmem:$0x1CE00] =	vst v63  }
0x2c1: {  	s12 =	sadd.s32 $0x90, s9;
	s13 =	simm.s32 $0x1BB80  }
0x2c2: {  	[hbm4b:s12+s3] =	stream.linear.scatter [tilespmem:s13], [sflag:$0x5], $0x80, $0x38;
	[tilespmem:$0x1CE00] =	vst v63  }
0x2c3: {  	s14 =	sadd.s32 $0xA0, s9;
	s18 =	simm.s32 $0x1BC80  }
0x2c4: {  	[hbm4b:s14+s3] =	stream.linear.scatter [tilespmem:s18], [sflag:$0x5], $0x80, $0x38;
	[tilespmem:$0x1CE00] =	vst v63  }
0x2c5: {  	s19 =	sadd.s32 $0xB0, s9;
	s20 =	simm.s32 $0x1BD80  }
0x2c6: {  	[hbm4b:s19+s3] =	stream.linear.scatter [tilespmem:s20], [sflag:$0x5], $0x80, $0x38;
	[tilespmem:$0x1CE00] =	vst v63  }
0x2c7: {  	s22 =	sadd.s32 $0xC0, s9;
	s23 =	simm.s32 $0x1BE80  }
0x2c8: {  	[hbm4b:s22+s3] =	stream.linear.scatter [tilespmem:s23], [sflag:$0x5], $0x80, $0x38;
	[tilespmem:$0x1CE00] =	vst v63  }
0x2c9: {  	s9 =	sadd.s32 $0xD0, s9;
	s24 =	simm.s32 $0x1BF80  }
0x2ca: {  	[hbm4b:s9+s3] =	stream.linear.scatter [tilespmem:s24], [sflag:$0x5], $0x80, $0x38;
	[tilespmem:$0x1CE00] =	vst v63  }
0x2cb: {  	s9 =	sadd.s32 s1, s2  }
0x2cc: {  	s2 =	sshrl.u32 s9, $0x3  }
0x2cd: {  	s10 =	simm.s32 $0x1C080;
	s2 =	sadd.s32 s8, s2  }
0x2ce: {  	[hbm4b:s2+s3] =	stream.linear.scatter [tilespmem:s10], [sflag:$0x5], $0x80, $0x38;
	[tilespmem:$0x1CE00] =	vst v63  }
0x2cf: {  	s12 =	simm.s32 $0x1C180;
	s11 =	sadd.s32 $0x10, s2  }
0x2d0: {  	[hbm4b:s11+s3] =	stream.linear.scatter [tilespmem:s12], [sflag:$0x5], $0x80, $0x38;
	[tilespmem:$0x1CE00] =	vst v63  }
0x2d1: {  	s14 =	simm.s32 $0x1C280;
	s13 =	sadd.s32 $0x20, s2  }
0x2d2: {  	[hbm4b:s13+s3] =	stream.linear.scatter [tilespmem:s14], [sflag:$0x5], $0x80, $0x38;
	[tilespmem:$0x1CE00] =	vst v63  }
0x2d3: {  	s19 =	simm.s32 $0x1C380;
	s18 =	sadd.s32 $0x30, s2  }
0x2d4: {  	[hbm4b:s18+s3] =	stream.linear.scatter [tilespmem:s19], [sflag:$0x5], $0x80, $0x38;
	[tilespmem:$0x1CE00] =	vst v63  }
0x2d5: {  	s22 =	simm.s32 $0x1C480;
	s20 =	sadd.s32 $0x40, s2  }
0x2d6: {  	[hbm4b:s20+s3] =	stream.linear.scatter [tilespmem:s22], [sflag:$0x5], $0x80, $0x38;
	[tilespmem:$0x1CE00] =	vst v63  }
0x2d7: {  	s24 =	simm.s32 $0x1C580;
	s23 =	sadd.s32 $0x50, s2  }
0x2d8: {  	[hbm4b:s23+s3] =	stream.linear.scatter [tilespmem:s24], [sflag:$0x5], $0x80, $0x38;
	[tilespmem:$0x1CE00] =	vst v63  }
0x2d9: {  	s11 =	sadd.s32 $0x60, s2;
	s12 =	simm.s32 $0x1C680  }
0x2da: {  	[hbm4b:s11+s3] =	stream.linear.scatter [tilespmem:s12], [sflag:$0x5], $0x80, $0x38;
	[tilespmem:$0x1CE00] =	vst v63  }
0x2db: {  	s13 =	sadd.s32 $0x70, s2;
	s14 =	simm.s32 $0x1C780  }
0x2dc: {  	[hbm4b:s13+s3] =	stream.linear.scatter [tilespmem:s14], [sflag:$0x5], $0x80, $0x38;
	[tilespmem:$0x1CE00] =	vst v63  }
0x2dd: {  	s18 =	sadd.s32 $0x80, s2;
	s19 =	simm.s32 $0x1C880  }
0x2de: {  	[hbm4b:s18+s3] =	stream.linear.scatter [tilespmem:s19], [sflag:$0x5], $0x80, $0x38;
	[tilespmem:$0x1CE00] =	vst v63  }
0x2df: {  	s20 =	sadd.s32 $0x90, s2  }
0x2e0: {  	[hbm4b:s20+s3] =	stream.linear.scatter [tilespmem:s25], [sflag:$0x5], $0x80, $0x38;
	[tilespmem:$0x1CE00] =	vst v63  }
0x2e1: {  	s15 =	sadd.s32 $0x1, s15;
	s22 =	sadd.s32 $0xA0, s2  }
0x2e2: {  	[hbm4b:s22+s3] =	stream.linear.scatter [tilespmem:s26], [sflag:$0x5], $0x80, $0x38;
	[tilespmem:$0x1CE00] =	vst v63  }
0x2e3: {  	p0 =	sne.s32 s15, $0xE;
	s23 =	sadd.s32 $0xB0, s2  }
0x2e4: {  	[hbm4b:s23+s3] =	stream.linear.scatter [tilespmem:s28], [sflag:$0x5], $0x80, $0x38;
	[tilespmem:$0x1CE00] =	vst v63  }
.Ltmp3:
0x2e5: {  	_ = 	snop;
	(pc) =	sbr.rel @p0 .LBB2_3-.Ltmp3, $4  }
0x2e6: {  	s24 =	sadd.s32 $0xC0, s2  }
0x2e7: {  	[hbm4b:s24+s3] =	stream.linear.scatter [tilespmem:s29], [sflag:$0x5], $0x80, $0x38;
	[tilespmem:$0x1CE00] =	vst v63  }
0x2e8: {  	s2 =	sadd.s32 $0xD0, s2  }
0x2e9: {  	[hbm4b:s2+s3] =	stream.linear.scatter [tilespmem:s30], [sflag:$0x5], $0x80, $0x38;
	[tilespmem:$0x1CE00] =	vst v63  }
0x2ea: {  	s10 =	rddreg [dreg:$0xe]  }
0x2eb: {  	s10 =	sadd.s32 $0x1, s10  }
0x2ec: {  	p0 =	sne.s32 s10, $0x6  }
.Ltmp4:
0x2ed: {  	_ = 	snop;
	(pc) =	sbr.rel @p0 .LBB2_2-.Ltmp4, $1  }
0x2ee: {  	_ =	sdelay $0x3  }
0x2ef: {  	s0 =	simm.s32 $0x4  }
0x2f0: {  	_ =	swait.ge [sflag:s0], $0x700  }
0x2f1: {  	[sflag:s0] =	ssyncset.done $0x0  }
0x2f2: {  	[sflag:s0] =	ssyncadd.s32 $0xFFFFF900  }
0x2f3: {  	_ =	swait.ge [sflag:s0], $0x700  }
0x2f4: {  	[sflag:s0] =	ssyncset.done $0x0  }
0x2f5: {  	s1 =	simm.s32 $0x5;
	[sflag:s0] =	ssyncadd.s32 $0xFFFFF900  }
0x2f6: {  	_ =	swait.ge [sflag:s1], $0x700  }
0x2f7: {  	[sflag:s1] =	ssyncset.done $0x0  }
0x2f8: {  	[sflag:s1] =	ssyncadd.s32 $0xFFFFF900  }
0x2f9: {  	_ =	swait.ge [sflag:s1], $0x700  }
0x2fa: {  	s2 =	rddreg [dreg:$0xd]  }
0x2fb: {  	s31 =	rddreg [dreg:$0x8];
	s2 =	sadd.s32 $0x1, s2  }
0x2fc: {  	p0 =	sne.s32 s2, s31  }
.Ltmp5:
0x2fd: {  	_ = 	snop;
	(pc) =	sbr.rel @p0 .LBB2_1-.Ltmp5, $3  }
0x2fe: {  	_ =	sdelay $0x1  }
0x2ff: {  	[sflag:s1] =	ssyncset.done $0x0  }
0x300: {  	[sflag:s1] =	ssyncadd.s32 $0xFFFFF900  }
0x301: {  	_ =	sfence.sel $0x180000  }
0x302: {  	[bflag:$0x0] =	sbarrier.arrive $0xFFFF  }
0x303: {  	_ =	strace $0x90000047  }
0x304: {  	s0 =	stileid.u32;
	[bflag:$0x2] =	sbarrier.arrive $0xFFFF  }
0x305: {  	p0 =	sne.s32 s0, $0x0;
	s0 =	rddreg [dreg:$0x2]  }
0x306: {  	s0 =	sadd.s32 @!p0 $0x100000, s0  }
0x307: {  	[sflag:s0] =	ssyncadd.tile.s32 @!p0 $0x1;
	_ =	shalt  }
.Lfunc_end2:
_tile_overlayer_lowered:
.L_overlay_start_2:
0x308: {  	(tag) =	ssettag $0x2  }
0x309: {  	s0 =	rddreg [dreg:$0x0];
	s2 =	stileid.u32  }
0x30a: {  	s1 =	rddreg [dreg:$0x1];
	p0 =	sne.s32 s2, $0x0  }
0x30b: {  	s3 =	rddreg [dreg:$0x2];
	[bflag:$0x3] =	sbarrier.arrive $0xFFFF;
	s2 =	simm.s32 @!p0 $0x1C06  }
0x30c: {  	[timem:s3], [sflag:s2] =	dma.local @!p0 [hbm:s0], s1  }
0x30d: {  	s0 =	simm.s32 @!p0 $0x6  }
0x30e: {  	_ =	swait.ge @!p0 [sflag:s0], s1  }
0x30f: {  	s1 =	ssub.s32 @!p0 $0x0, s1;
	[sflag:s0] =	ssyncset.done @!p0 $0x0  }
0x310: {  	[sflag:s0] =	ssyncadd.s32 @!p0 s1  }
0x311: {  	[bflag:$0x3] =	sbarrier.arrive $0xFFFF  }
0x312: {  	_ =	shalt  }

</sc_bundles>
